<compile_context>
chip_gen: v7x
topology: tpu7x:2x2x1
jax: 0.10.2.dev20260603
libtpu: 0.0.44.dev20260713+nightly
codegen_flags: <defaults>
</compile_context>

<pallas_src>
import jax
import jax.numpy as jnp
from jax import lax
from jax.experimental import pallas as pl
from jax.experimental.pallas import tpu as pltpu
from jax.experimental.pallas import tpu_sc as plsc

LSH_BUCKETS = 64
LSH_BANDWIDTH = 2.0
N_HASH = 4
K_MAX = 32

NUM_CORES = 2
NUM_SUBCORES = 16
LANES = 16
NW = NUM_CORES * NUM_SUBCORES

NB = 256


def _bucket_hash(p):
    x = p / LSH_BANDWIDTH
    t = x.astype(jnp.int32)
    tf = t.astype(jnp.float32)
    f = t - jnp.where((x < 0.0) & (tf != x), 1, 0)
    return ((f % LSH_BUCKETS) + LSH_BUCKETS) % LSH_BUCKETS


def _fold(c):
    return (c ^ (c >> 8) ^ (c >> 16)) & (NB - 1)


def _make_sc_call(B, L):
    n = B * L
    qpw = n // NW
    assert qpw * NW == n and L % LANES == 0 and qpw % LANES == 0
    assert L & (L - 1) == 0
    log2l = L.bit_length() - 1

    def body(qproj_hbm, kproj_hbm, out_hbm, qp_v, qc_v, hist_v,
             comb_v, cur_v, rank_v, last_v, kpack_s, cnt_s, out_v, sem):
        wid = lax.axis_index("s") * NUM_CORES + lax.axis_index("c")
        gbase = wid * qpw
        b = gbase // L
        kbase = b * L

        copies = [
            pltpu.async_copy(qproj_hbm.at[pl.ds(gbase * N_HASH,
                                                qpw * N_HASH)],
                             qp_v.at[pl.ds(0, qpw * N_HASH)], sem),
            pltpu.async_copy(kproj_hbm.at[pl.ds(kbase * N_HASH,
                                                L * N_HASH)],
                             qp_v.at[pl.ds(qpw * N_HASH, L * N_HASH)], sem),
        ]
        for c in copies:
            c.wait()

        base_idx = lax.iota(jnp.int32, LANES) * N_HASH

        def pack_step(i, _):
            hs = [_bucket_hash(plsc.load_gather(
                      qp_v, [base_idx + (i * LANES * N_HASH + h)]))
                  for h in range(N_HASH)]
            c = ((hs[3] * LSH_BUCKETS + hs[2]) * LSH_BUCKETS
                 + hs[1]) * LSH_BUCKETS + hs[0]
            qc_v[pl.ds(i * LANES, LANES)] = c
            return 0
        lax.fori_loop(0, (qpw + L) // LANES, pack_step, 0)

        iota = lax.iota(jnp.int32, LANES)
        zeros = jnp.zeros((LANES,), jnp.int32)

        def zero_step(j, _):
            hist_v[pl.ds(j * LANES, LANES)] = zeros
            return 0
        lax.fori_loop(0, NB // LANES, zero_step, 0)

        def hist_step(i, _):
            for j in range(2):
                off = (2 * i + j) * LANES
                bv = _fold(qc_v[pl.ds(qpw + off, LANES)])
                rank, lastm = plsc.scan_count(bv)
                plsc.addupdate_scatter(hist_v, [bv], rank, mask=lastm)
                rank_v[pl.ds(off, LANES)] = rank
                last_v[pl.ds(off, LANES)] = lastm.astype(jnp.int32)
            return 0
        lax.fori_loop(0, L // LANES // 2, hist_step, 0)

        def prefix_step(j, carry):
            hv = hist_v[pl.ds(j * LANES, LANES)]
            cs = plsc.cumsum(hv)
            excl = carry + cs - hv
            comb_v[pl.ds(j * LANES, LANES)] = (excl << 12) | hv
            cur_v[pl.ds(j * LANES, LANES)] = excl
            return carry + jnp.max(cs)
        lax.fori_loop(0, NB // LANES, prefix_step, 0)

        def place_step(i, _):
            kvv = qc_v[pl.ds(qpw + i * LANES, LANES)]
            bv = _fold(kvv)
            rank = rank_v[pl.ds(i * LANES, LANES)]
            lastm = last_v[pl.ds(i * LANES, LANES)] == 1
            base = plsc.load_gather(cur_v, [bv])
            pos = base + rank - 1
            packed = ((kvv >> 8) << log2l) | (iota + i * LANES)
            plsc.store_scatter(kpack_s, [pos], packed)
            plsc.addupdate_scatter(cur_v, [bv], rank, mask=lastm)
            return 0
        lax.fori_loop(0, L // LANES, place_step, 0)

        BK = 8
        neg1 = jnp.full((LANES,), -1, jnp.int32)

        def prefill(i, _):
            out_v[pl.ds(i * LANES, LANES)] = neg1
            return 0
        lax.fori_loop(0, qpw * K_MAX // LANES, prefill, 0)

        def per_group(g, _):
            qv = qc_v[pl.ds(g * LANES, LANES)]
            bv = _fold(qv)
            qtop = (qv >> 8) << log2l
            combv = plsc.load_gather(comb_v, [bv])
            ptrv0 = combv >> 12
            lenv = combv & 0xFFF
            endv = ptrv0 + lenv
            out_base = (g * LANES + iota) * K_MAX
            nblocks = (jnp.max(lenv) + (BK - 1)) // BK
            cnt_s[pl.ds(0, LANES)] = ptrv0
            cnt_s[pl.ds(LANES, LANES)] = zeros

            def cond(k):
                return k < nblocks

            def block(k):
                ptrv = cnt_s[pl.ds(0, LANES)]
                cntv = cnt_s[pl.ds(LANES, LANES)]
                for _ in range(BK):
                    active = ptrv < endv
                    v = plsc.load_gather(kpack_s,
                                         [jnp.where(active, ptrv, 0)])
                    m = (active & ((v & (-L)) == qtop)
                         & (cntv < K_MAX))
                    plsc.store_scatter(out_v, [out_base + cntv],
                                       v & (L - 1), mask=m)
                    cntv = cntv + m.astype(jnp.int32)
                    ptrv = ptrv + active.astype(jnp.int32)
                cnt_s[pl.ds(0, LANES)] = ptrv
                cnt_s[pl.ds(LANES, LANES)] = cntv
                return k + 1

            lax.while_loop(cond, block, 0)
            return 0

        lax.fori_loop(0, qpw // LANES, per_group, 0)
        pltpu.sync_copy(out_v, out_hbm.at[pl.ds(gbase * K_MAX, qpw * K_MAX)])

    return pl.kernel(
        body,
        out_type=jax.ShapeDtypeStruct((n * K_MAX,), jnp.int32),
        mesh=plsc.VectorSubcoreMesh(core_axis_name="c", subcore_axis_name="s",
                                    num_cores=NUM_CORES,
                                    num_subcores=NUM_SUBCORES),
        scratch_types=[
            pltpu.VMEM((N_HASH * (qpw + L),), jnp.float32),
            pltpu.VMEM((qpw + L,), jnp.int32),
            pltpu.VMEM((NB,), jnp.int32),
            pltpu.VMEM((NB,), jnp.int32),
            pltpu.VMEM((NB,), jnp.int32),
            pltpu.VMEM((L,), jnp.int32),
            pltpu.VMEM((L,), jnp.int32),
            pltpu.VMEM((L,), jnp.int32),
            pltpu.VMEM((2 * LANES,), jnp.int32),
            pltpu.VMEM((qpw * K_MAX,), jnp.int32),
            pltpu.SemaphoreType.DMA,
        ],
        compiler_params=pltpu.CompilerParams(needs_layout_passes=False),
    )


@jax.jit
def kernel(query, key, lsh_proj, head_idx=0):
    B, L, D = query.shape
    n = B * L
    query_bin = (query > 0).astype(jnp.float32)
    key_bin = (key > 0).astype(jnp.float32)
    qproj = query_bin.reshape(n, -1) @ lsh_proj
    kproj = key_bin.reshape(n, -1) @ lsh_proj
    out = _make_sc_call(B, L)(qproj.reshape(-1), kproj.reshape(-1))
    return out.reshape(B, L, K_MAX)

# --- scband reference (transcript-rebuilt; emitter-appended) ---
"""Pipeline reference for scband-candidate-finder-83571473645962 (READ-ONLY COPY).

The authoritative reference and input builder live on the scoring server;
editing this copy changes nothing except your own understanding.
"""

import jax, jax.numpy as jnp
import numpy as np

LSH_BUCKETS = 64
LSH_BANDWIDTH = 2.0
N_LSH_HASHES = 4
K_MAX = 32


def setup_inputs(seed: int = 0) -> dict:
    key = jax.random.key(seed)
    k1, k2, k3 = jax.random.split(key, 3)
    B, L, D = 2, 2048, 64
    query = jax.random.normal(k1, (B, L, D), dtype=jnp.float32)
    key_t = jax.random.normal(k2, (B, L, D), dtype=jnp.float32)
    # LSH random projection matrix for the selected head's table (lsh_tables[head_idx][0])
    lsh_proj = jax.random.normal(k3, (D, N_LSH_HASHES), dtype=jnp.float32)
    return {"query": query, "key": key_t, "lsh_proj": lsh_proj, "head_idx": 0}


def _lsh_hash(x_bin_flat, lsh_proj):
    # hash: floor(x @ P / bandwidth) mod buckets, one code per hash function
    proj = x_bin_flat @ lsh_proj
    return jnp.mod(jnp.floor(proj / LSH_BANDWIDTH), LSH_BUCKETS)


def reference(query, key, lsh_proj, head_idx=0):
    B, L, D = query.shape
    # binary_quantize
    query_bin = (query > 0).astype(jnp.float32)
    key_bin = (key > 0).astype(jnp.float32)
    # hash via lsh_tables[head_idx][0]
    query_hash = _lsh_hash(query_bin.reshape(B * L, -1), lsh_proj).reshape(B, L, -1)
    key_hash = _lsh_hash(key_bin.reshape(B * L, -1), lsh_proj).reshape(B, L, -1)
    # match[b, i, j] = all hash codes equal (same as torch.all(query_hash[b,i]==key_hash[b,j]))
    match = jnp.all(query_hash[:, :, None, :] == key_hash[:, None, :, :], axis=-1)
    # first k_max matching j indices in ascending order, padded with -1
    j_idx = jnp.arange(L, dtype=jnp.int32)
    cand_vals = jnp.where(match, j_idx[None, None, :], L)
    sorted_vals = jnp.sort(cand_vals, axis=-1)[:, :, :K_MAX]
    candidates = jnp.where(sorted_vals == L, -1, sorted_vals).astype(jnp.int32)
    return candidates

if __name__ == "__main__":
    import jax
    _d = setup_inputs()
    print(jax.jit(kernel)(*tuple(_d.values())))

</pallas_src>

<mosaic_0001>
#map = affine_map<(d0, d1) -> (0)>
module attributes {stable_mosaic.version = 14 : i64} {
  func.func @body(%arg0: i32, %arg1: i32, %arg2: memref<16384xf32, #tpu.memory_space<hbm>>, %arg3: memref<16384xf32, #tpu.memory_space<hbm>>, %arg4: memref<131072xi32, #tpu.memory_space<hbm>>, %arg5: memref<8704xf32, #tpu.memory_space<vmem>>, %arg6: memref<2176xi32, #tpu.memory_space<vmem>>, %arg7: memref<256xi32, #tpu.memory_space<vmem>>, %arg8: memref<256xi32, #tpu.memory_space<vmem>>, %arg9: memref<256xi32, #tpu.memory_space<vmem>>, %arg10: memref<2048xi32, #tpu.memory_space<vmem>>, %arg11: memref<2048xi32, #tpu.memory_space<vmem>>, %arg12: memref<2048xi32, #tpu.memory_space<vmem>>, %arg13: memref<32xi32, #tpu.memory_space<vmem>>, %arg14: memref<4096xi32, #tpu.memory_space<vmem>>, %arg15: memref<!tpu.dma_semaphore, #tpu.memory_space<semaphore_mem>>) attributes {dimension_semantics = [#tpu.dimension_semantics<core_parallel>, #tpu.dimension_semantics<subcore_parallel>], iteration_bounds = array<i64: 2, 16>, scalar_prefetch = 0 : i64, scratch_operands = 11 : i64, tpu.core_type = #tpu.core_type<sc_vector_subcore>, window_params = [{transform_indices = #map}, {transform_indices = #map}, {transform_indices = #map}]} {
    %mul3A = arith.constant 2 : i32
    %mul3A_0 = arith.muli %arg1, %mul3A : i32
    %add3A = arith.addi %mul3A_0, %arg0 : i32
    %mul3A_1 = arith.constant 128 : i32
    %mul3A_2 = arith.muli %add3A, %mul3A_1 : i32
    %jit3A = arith.constant 2048 : i32
    %div3A = arith.divsi %mul3A_2, %jit3A : i32
    %sign3A = arith.constant 0 : i32
    %sign3A_3 = arith.cmpi sgt, %mul3A_2, %sign3A : i32
    %sign3A_4 = arith.extui %sign3A_3 : i1 to i32
    %sign3A_5 = arith.constant 0 : i32
    %sign3A_6 = arith.cmpi slt, %mul3A_2, %sign3A_5 : i32
    %sign3A_7 = arith.extui %sign3A_6 : i1 to i32
    %sign3A_8 = arith.subi %sign3A_4, %sign3A_7 : i32
    %sign3A_9 = arith.constant 0 : i32
    %sign3A_10 = arith.cmpi sgt, %jit3A, %sign3A_9 : i32
    %sign3A_11 = arith.extui %sign3A_10 : i1 to i32
    %sign3A_12 = arith.constant 0 : i32
    %sign3A_13 = arith.cmpi slt, %jit3A, %sign3A_12 : i32
    %sign3A_14 = arith.extui %sign3A_13 : i1 to i32
    %sign3A_15 = arith.subi %sign3A_11, %sign3A_14 : i32
    %ne3A = arith.cmpi ne, %sign3A_8, %sign3A_15 : i32
    %rem3A = arith.remsi %mul3A_2, %jit3A : i32
    %ne3A_16 = arith.constant 0 : i32
    %ne3A_17 = arith.cmpi ne, %rem3A, %ne3A_16 : i32
    %and3A = arith.andi %ne3A, %ne3A_17 : i1
    %sub3A = arith.constant 1 : i32
    %sub3A_18 = arith.subi %div3A, %sub3A : i32
    %select_n3A = arith.select %and3A, %sub3A_18, %div3A : i32
    %mul3A_19 = arith.constant 2048 : i32
    %mul3A_20 = arith.muli %select_n3A, %mul3A_19 : i32
    %mul3A_21 = arith.constant 4 : i32
    %mul3A_22 = arith.muli %mul3A_2, %mul3A_21 : i32
    %dma_start3A = arith.constant 0 : i32
    %dma_start3A_23 = tpu.memref_slice %arg5[%dma_start3A] : memref<8704xf32, #tpu.memory_space<vmem>> -> memref<512xf32, #tpu.memory_space<vmem>>
    %dma_start3A_24 = tpu.memref_slice %arg2[%mul3A_22] : memref<16384xf32, #tpu.memory_space<hbm>> -> memref<512xf32, #tpu.memory_space<hbm>>
    %dma_start3A_25 = arith.constant 0 : i32
    %dma_start3A_26 = tpu.memref_slice %arg5[%dma_start3A_25] : memref<8704xf32, #tpu.memory_space<vmem>> -> memref<512xf32, #tpu.memory_space<vmem>>
    %dma_start3A_27 = tpu.memref_slice %arg2[%mul3A_22] : memref<16384xf32, #tpu.memory_space<hbm>> -> memref<512xf32, #tpu.memory_space<hbm>>
    tpu.enqueue_dma source(%dma_start3A_27 : memref<512xf32, #tpu.memory_space<hbm>>) target(%dma_start3A_26 : memref<512xf32, #tpu.memory_space<vmem>>) target_semaphore(%arg15 : memref<!tpu.dma_semaphore, #tpu.memory_space<semaphore_mem>>)
    %mul3A_28 = arith.constant 4 : i32
    %mul3A_29 = arith.muli %mul3A_20, %mul3A_28 : i32
    %dma_start3A_30 = arith.constant 512 : i32
    %dma_start3A_31 = tpu.memref_slice %arg5[%dma_start3A_30] : memref<8704xf32, #tpu.memory_space<vmem>> -> memref<8192xf32, #tpu.memory_space<vmem>>
    %dma_start3A_32 = tpu.memref_slice %arg3[%mul3A_29] : memref<16384xf32, #tpu.memory_space<hbm>> -> memref<8192xf32, #tpu.memory_space<hbm>>
    %dma_start3A_33 = arith.constant 512 : i32
    %dma_start3A_34 = tpu.memref_slice %arg5[%dma_start3A_33] : memref<8704xf32, #tpu.memory_space<vmem>> -> memref<8192xf32, #tpu.memory_space<vmem>>
    %dma_start3A_35 = tpu.memref_slice %arg3[%mul3A_29] : memref<16384xf32, #tpu.memory_space<hbm>> -> memref<8192xf32, #tpu.memory_space<hbm>>
    tpu.enqueue_dma source(%dma_start3A_35 : memref<8192xf32, #tpu.memory_space<hbm>>) target(%dma_start3A_34 : memref<8192xf32, #tpu.memory_space<vmem>>) target_semaphore(%arg15 : memref<!tpu.dma_semaphore, #tpu.memory_space<semaphore_mem>>)
    %dma_wait3A = arith.constant 0 : i32
    %dma_wait3A_36 = tpu.memref_slice %arg5[%dma_wait3A] : memref<8704xf32, #tpu.memory_space<vmem>> -> memref<512xf32, #tpu.memory_space<vmem>>
    %dma_wait3A_37 = tpu.memref_slice %arg2[%mul3A_22] : memref<16384xf32, #tpu.memory_space<hbm>> -> memref<512xf32, #tpu.memory_space<hbm>>
    %dma_wait3A_38 = arith.constant 0 : i32
    %dma_wait3A_39 = tpu.memref_slice %arg5[%dma_wait3A_38] : memref<8704xf32, #tpu.memory_space<vmem>> -> memref<512xf32, #tpu.memory_space<vmem>>
    %dma_wait3A_40 = tpu.memref_slice %arg2[%mul3A_22] : memref<16384xf32, #tpu.memory_space<hbm>> -> memref<512xf32, #tpu.memory_space<hbm>>
    tpu.wait_dma2 semaphore(%arg15 : memref<!tpu.dma_semaphore, #tpu.memory_space<semaphore_mem>>) src(%dma_wait3A_40 : memref<512xf32, #tpu.memory_space<hbm>>) dst(%dma_wait3A_39 : memref<512xf32, #tpu.memory_space<vmem>>)
    %dma_wait3A_41 = arith.constant 512 : i32
    %dma_wait3A_42 = tpu.memref_slice %arg5[%dma_wait3A_41] : memref<8704xf32, #tpu.memory_space<vmem>> -> memref<8192xf32, #tpu.memory_space<vmem>>
    %dma_wait3A_43 = tpu.memref_slice %arg3[%mul3A_29] : memref<16384xf32, #tpu.memory_space<hbm>> -> memref<8192xf32, #tpu.memory_space<hbm>>
    %dma_wait3A_44 = arith.constant 512 : i32
    %dma_wait3A_45 = tpu.memref_slice %arg5[%dma_wait3A_44] : memref<8704xf32, #tpu.memory_space<vmem>> -> memref<8192xf32, #tpu.memory_space<vmem>>
    %dma_wait3A_46 = tpu.memref_slice %arg3[%mul3A_29] : memref<16384xf32, #tpu.memory_space<hbm>> -> memref<8192xf32, #tpu.memory_space<hbm>>
    tpu.wait_dma2 semaphore(%arg15 : memref<!tpu.dma_semaphore, #tpu.memory_space<semaphore_mem>>) src(%dma_wait3A_46 : memref<8192xf32, #tpu.memory_space<hbm>>) dst(%dma_wait3A_45 : memref<8192xf32, #tpu.memory_space<vmem>>)
    %iota3A = tpu.iota {dimensions = array<i32: 0>} : vector<16xi32>
    %mul3A_47 = arith.constant 4 : i32
    %mul3A_48 = vector.broadcast %mul3A_47 : i32 to vector<16xi32>
    %mul3A_49 = arith.muli %iota3A, %mul3A_48 : vector<16xi32>
    %scan3A = arith.constant 0 : i32
    %scan3A_50 = arith.constant 0 : i32
    %scan3A_51 = arith.constant 136 : i32
    %scan3A_52 = arith.addi %scan3A_50, %scan3A_51 : i32
    %scan3A_53 = arith.constant 1 : i32
    %scan3A_54 = scf.for %scan3A_104 = %scan3A_50 to %scan3A_52 step %scan3A_53 iter_args(%scan3A_105 = %scan3A) -> (i32)  : i32 {
      %mul3A_106 = arith.constant 16 : i32
      %mul3A_107 = arith.muli %scan3A_104, %mul3A_106 : i32
      %mul3A_108 = arith.constant 4 : i32
      %mul3A_109 = arith.muli %mul3A_107, %mul3A_108 : i32
      %add3A_110 = arith.constant 0 : i32
      %add3A_111 = arith.addi %mul3A_109, %add3A_110 : i32
      %add3A_112 = vector.broadcast %add3A_111 : i32 to vector<16xi32>
      %add3A_113 = arith.addi %mul3A_49, %add3A_112 : vector<16xi32>
      %gather3A = tpu.vector_load_idx %arg5[%add3A_113] : memref<8704xf32, #tpu.memory_space<vmem>>[vector<16xi32>], vector<16xf32>,
      %div3A_114 = arith.constant 2.000000e+00 : f32
      %div3A_115 = vector.broadcast %div3A_114 : f32 to vector<16xf32>
      %div3A_116 = arith.divf %gather3A, %div3A_115 : vector<16xf32>
      %convert_element_type3A = arith.fptosi %div3A_116 : vector<16xf32> to vector<16xi32>
      %convert_element_type3A_117 = arith.sitofp %convert_element_type3A : vector<16xi32> to vector<16xf32>
      %lt3A = arith.constant 0.000000e+00 : f32
      %lt3A_118 = vector.broadcast %lt3A : f32 to vector<16xf32>
      %lt3A_119 = arith.cmpf olt, %div3A_116, %lt3A_118 : vector<16xf32>
      %ne3A_120 = arith.cmpf one, %convert_element_type3A_117, %div3A_116 : vector<16xf32>
      %and3A_121 = arith.andi %lt3A_119, %ne3A_120 : vector<16xi1>
      %jit3A_122 = arith.constant 1 : i32
      %jit3A_123 = arith.constant 0 : i32
      %broadcast_in_dim3A_124 = vector.broadcast %jit3A_122 : i32 to vector<16xi32>
      %broadcast_in_dim3A_125 = vector.broadcast %jit3A_123 : i32 to vector<16xi32>
      %select_n3A_126 = arith.select %and3A_121, %broadcast_in_dim3A_124, %broadcast_in_dim3A_125 : vector<16xi1>, vector<16xi32>
      %sub3A_127 = arith.subi %convert_element_type3A, %select_n3A_126 : vector<16xi32>
      %jit3A_128 = arith.constant 64 : i32
      %eq3A = arith.constant 0 : i32
      %eq3A_129 = arith.cmpi eq, %jit3A_128, %eq3A : i32
      %jit3A_130 = arith.constant 1 : i32
      %select_n3A_131 = arith.select %eq3A_129, %jit3A_130, %jit3A_128 : i32
      %rem3A_132 = vector.broadcast %select_n3A_131 : i32 to vector<16xi32>
      %rem3A_133 = arith.remsi %sub3A_127, %rem3A_132 : vector<16xi32>
      %ne3A_134 = arith.constant 0 : i32
      %ne3A_135 = vector.broadcast %ne3A_134 : i32 to vector<16xi32>
      %ne3A_136 = arith.cmpi ne, %rem3A_133, %ne3A_135 : vector<16xi32>
      %lt3A_137 = arith.constant 0 : i32
      %lt3A_138 = vector.broadcast %lt3A_137 : i32 to vector<16xi32>
      %lt3A_139 = arith.cmpi slt, %rem3A_133, %lt3A_138 : vector<16xi32>
      %lt3A_140 = arith.constant 0 : i32
      %lt3A_141 = arith.cmpi slt, %select_n3A_131, %lt3A_140 : i32
      %ne3A_142 = vector.broadcast %lt3A_141 : i1 to vector<16xi1>
      %ne3A_143 = vector.broadcast %ne3A_142 : vector<16xi1> to vector<16xi1>
      %ne3A_144 = arith.xori %lt3A_139, %ne3A_143 : vector<16xi1>
      %and3A_145 = arith.andi %ne3A_144, %ne3A_136 : vector<16xi1>
      %add3A_146 = vector.broadcast %select_n3A_131 : i32 to vector<16xi32>
      %add3A_147 = arith.addi %rem3A_133, %add3A_146 : vector<16xi32>
      %select_n3A_148 = arith.select %and3A_145, %add3A_147, %rem3A_133 : vector<16xi1>, vector<16xi32>
      %add3A_149 = arith.constant 64 : i32
      %add3A_150 = vector.broadcast %add3A_149 : i32 to vector<16xi32>
      %add3A_151 = arith.addi %select_n3A_148, %add3A_150 : vector<16xi32>
      %jit3A_152 = arith.constant 64 : i32
      %eq3A_153 = arith.constant 0 : i32
      %eq3A_154 = arith.cmpi eq, %jit3A_152, %eq3A_153 : i32
      %jit3A_155 = arith.constant 1 : i32
      %select_n3A_156 = arith.select %eq3A_154, %jit3A_155, %jit3A_152 : i32
      %rem3A_157 = vector.broadcast %select_n3A_156 : i32 to vector<16xi32>
      %rem3A_158 = arith.remsi %add3A_151, %rem3A_157 : vector<16xi32>
      %ne3A_159 = arith.constant 0 : i32
      %ne3A_160 = vector.broadcast %ne3A_159 : i32 to vector<16xi32>
      %ne3A_161 = arith.cmpi ne, %rem3A_158, %ne3A_160 : vector<16xi32>
      %lt3A_162 = arith.constant 0 : i32
      %lt3A_163 = vector.broadcast %lt3A_162 : i32 to vector<16xi32>
      %lt3A_164 = arith.cmpi slt, %rem3A_158, %lt3A_163 : vector<16xi32>
      %lt3A_165 = arith.constant 0 : i32
      %lt3A_166 = arith.cmpi slt, %select_n3A_156, %lt3A_165 : i32
      %ne3A_167 = vector.broadcast %lt3A_166 : i1 to vector<16xi1>
      %ne3A_168 = vector.broadcast %ne3A_167 : vector<16xi1> to vector<16xi1>
      %ne3A_169 = arith.xori %lt3A_164, %ne3A_168 : vector<16xi1>
      %and3A_170 = arith.andi %ne3A_169, %ne3A_161 : vector<16xi1>
      %add3A_171 = vector.broadcast %select_n3A_156 : i32 to vector<16xi32>
      %add3A_172 = arith.addi %rem3A_158, %add3A_171 : vector<16xi32>
      %select_n3A_173 = arith.select %and3A_170, %add3A_172, %rem3A_158 : vector<16xi1>, vector<16xi32>
      %mul3A_174 = arith.constant 16 : i32
      %mul3A_175 = arith.muli %scan3A_104, %mul3A_174 : i32
      %mul3A_176 = arith.constant 4 : i32
      %mul3A_177 = arith.muli %mul3A_175, %mul3A_176 : i32
      %add3A_178 = arith.constant 1 : i32
      %add3A_179 = arith.addi %mul3A_177, %add3A_178 : i32
      %add3A_180 = vector.broadcast %add3A_179 : i32 to vector<16xi32>
      %add3A_181 = arith.addi %mul3A_49, %add3A_180 : vector<16xi32>
      %gather3A_182 = tpu.vector_load_idx %arg5[%add3A_181] : memref<8704xf32, #tpu.memory_space<vmem>>[vector<16xi32>], vector<16xf32>,
      %div3A_183 = arith.constant 2.000000e+00 : f32
      %div3A_184 = vector.broadcast %div3A_183 : f32 to vector<16xf32>
      %div3A_185 = arith.divf %gather3A_182, %div3A_184 : vector<16xf32>
      %convert_element_type3A_186 = arith.fptosi %div3A_185 : vector<16xf32> to vector<16xi32>
      %convert_element_type3A_187 = arith.sitofp %convert_element_type3A_186 : vector<16xi32> to vector<16xf32>
      %lt3A_188 = arith.constant 0.000000e+00 : f32
      %lt3A_189 = vector.broadcast %lt3A_188 : f32 to vector<16xf32>
      %lt3A_190 = arith.cmpf olt, %div3A_185, %lt3A_189 : vector<16xf32>
      %ne3A_191 = arith.cmpf one, %convert_element_type3A_187, %div3A_185 : vector<16xf32>
      %and3A_192 = arith.andi %lt3A_190, %ne3A_191 : vector<16xi1>
      %jit3A_193 = arith.constant 1 : i32
      %jit3A_194 = arith.constant 0 : i32
      %broadcast_in_dim3A_195 = vector.broadcast %jit3A_193 : i32 to vector<16xi32>
      %broadcast_in_dim3A_196 = vector.broadcast %jit3A_194 : i32 to vector<16xi32>
      %select_n3A_197 = arith.select %and3A_192, %broadcast_in_dim3A_195, %broadcast_in_dim3A_196 : vector<16xi1>, vector<16xi32>
      %sub3A_198 = arith.subi %convert_element_type3A_186, %select_n3A_197 : vector<16xi32>
      %jit3A_199 = arith.constant 64 : i32
      %eq3A_200 = arith.constant 0 : i32
      %eq3A_201 = arith.cmpi eq, %jit3A_199, %eq3A_200 : i32
      %jit3A_202 = arith.constant 1 : i32
      %select_n3A_203 = arith.select %eq3A_201, %jit3A_202, %jit3A_199 : i32
      %rem3A_204 = vector.broadcast %select_n3A_203 : i32 to vector<16xi32>
      %rem3A_205 = arith.remsi %sub3A_198, %rem3A_204 : vector<16xi32>
      %ne3A_206 = arith.constant 0 : i32
      %ne3A_207 = vector.broadcast %ne3A_206 : i32 to vector<16xi32>
      %ne3A_208 = arith.cmpi ne, %rem3A_205, %ne3A_207 : vector<16xi32>
      %lt3A_209 = arith.constant 0 : i32
      %lt3A_210 = vector.broadcast %lt3A_209 : i32 to vector<16xi32>
      %lt3A_211 = arith.cmpi slt, %rem3A_205, %lt3A_210 : vector<16xi32>
      %lt3A_212 = arith.constant 0 : i32
      %lt3A_213 = arith.cmpi slt, %select_n3A_203, %lt3A_212 : i32
      %ne3A_214 = vector.broadcast %lt3A_213 : i1 to vector<16xi1>
      %ne3A_215 = vector.broadcast %ne3A_214 : vector<16xi1> to vector<16xi1>
      %ne3A_216 = arith.xori %lt3A_211, %ne3A_215 : vector<16xi1>
      %and3A_217 = arith.andi %ne3A_216, %ne3A_208 : vector<16xi1>
      %add3A_218 = vector.broadcast %select_n3A_203 : i32 to vector<16xi32>
      %add3A_219 = arith.addi %rem3A_205, %add3A_218 : vector<16xi32>
      %select_n3A_220 = arith.select %and3A_217, %add3A_219, %rem3A_205 : vector<16xi1>, vector<16xi32>
      %add3A_221 = arith.constant 64 : i32
      %add3A_222 = vector.broadcast %add3A_221 : i32 to vector<16xi32>
      %add3A_223 = arith.addi %select_n3A_220, %add3A_222 : vector<16xi32>
      %jit3A_224 = arith.constant 64 : i32
      %eq3A_225 = arith.constant 0 : i32
      %eq3A_226 = arith.cmpi eq, %jit3A_224, %eq3A_225 : i32
      %jit3A_227 = arith.constant 1 : i32
      %select_n3A_228 = arith.select %eq3A_226, %jit3A_227, %jit3A_224 : i32
      %rem3A_229 = vector.broadcast %select_n3A_228 : i32 to vector<16xi32>
      %rem3A_230 = arith.remsi %add3A_223, %rem3A_229 : vector<16xi32>
      %ne3A_231 = arith.constant 0 : i32
      %ne3A_232 = vector.broadcast %ne3A_231 : i32 to vector<16xi32>
      %ne3A_233 = arith.cmpi ne, %rem3A_230, %ne3A_232 : vector<16xi32>
      %lt3A_234 = arith.constant 0 : i32
      %lt3A_235 = vector.broadcast %lt3A_234 : i32 to vector<16xi32>
      %lt3A_236 = arith.cmpi slt, %rem3A_230, %lt3A_235 : vector<16xi32>
      %lt3A_237 = arith.constant 0 : i32
      %lt3A_238 = arith.cmpi slt, %select_n3A_228, %lt3A_237 : i32
      %ne3A_239 = vector.broadcast %lt3A_238 : i1 to vector<16xi1>
      %ne3A_240 = vector.broadcast %ne3A_239 : vector<16xi1> to vector<16xi1>
      %ne3A_241 = arith.xori %lt3A_236, %ne3A_240 : vector<16xi1>
      %and3A_242 = arith.andi %ne3A_241, %ne3A_233 : vector<16xi1>
      %add3A_243 = vector.broadcast %select_n3A_228 : i32 to vector<16xi32>
      %add3A_244 = arith.addi %rem3A_230, %add3A_243 : vector<16xi32>
      %select_n3A_245 = arith.select %and3A_242, %add3A_244, %rem3A_230 : vector<16xi1>, vector<16xi32>
      %mul3A_246 = arith.constant 16 : i32
      %mul3A_247 = arith.muli %scan3A_104, %mul3A_246 : i32
      %mul3A_248 = arith.constant 4 : i32
      %mul3A_249 = arith.muli %mul3A_247, %mul3A_248 : i32
      %add3A_250 = arith.constant 2 : i32
      %add3A_251 = arith.addi %mul3A_249, %add3A_250 : i32
      %add3A_252 = vector.broadcast %add3A_251 : i32 to vector<16xi32>
      %add3A_253 = arith.addi %mul3A_49, %add3A_252 : vector<16xi32>
      %gather3A_254 = tpu.vector_load_idx %arg5[%add3A_253] : memref<8704xf32, #tpu.memory_space<vmem>>[vector<16xi32>], vector<16xf32>,
      %div3A_255 = arith.constant 2.000000e+00 : f32
      %div3A_256 = vector.broadcast %div3A_255 : f32 to vector<16xf32>
      %div3A_257 = arith.divf %gather3A_254, %div3A_256 : vector<16xf32>
      %convert_element_type3A_258 = arith.fptosi %div3A_257 : vector<16xf32> to vector<16xi32>
      %convert_element_type3A_259 = arith.sitofp %convert_element_type3A_258 : vector<16xi32> to vector<16xf32>
      %lt3A_260 = arith.constant 0.000000e+00 : f32
      %lt3A_261 = vector.broadcast %lt3A_260 : f32 to vector<16xf32>
      %lt3A_262 = arith.cmpf olt, %div3A_257, %lt3A_261 : vector<16xf32>
      %ne3A_263 = arith.cmpf one, %convert_element_type3A_259, %div3A_257 : vector<16xf32>
      %and3A_264 = arith.andi %lt3A_262, %ne3A_263 : vector<16xi1>
      %jit3A_265 = arith.constant 1 : i32
      %jit3A_266 = arith.constant 0 : i32
      %broadcast_in_dim3A_267 = vector.broadcast %jit3A_265 : i32 to vector<16xi32>
      %broadcast_in_dim3A_268 = vector.broadcast %jit3A_266 : i32 to vector<16xi32>
      %select_n3A_269 = arith.select %and3A_264, %broadcast_in_dim3A_267, %broadcast_in_dim3A_268 : vector<16xi1>, vector<16xi32>
      %sub3A_270 = arith.subi %convert_element_type3A_258, %select_n3A_269 : vector<16xi32>
      %jit3A_271 = arith.constant 64 : i32
      %eq3A_272 = arith.constant 0 : i32
      %eq3A_273 = arith.cmpi eq, %jit3A_271, %eq3A_272 : i32
      %jit3A_274 = arith.constant 1 : i32
      %select_n3A_275 = arith.select %eq3A_273, %jit3A_274, %jit3A_271 : i32
      %rem3A_276 = vector.broadcast %select_n3A_275 : i32 to vector<16xi32>
      %rem3A_277 = arith.remsi %sub3A_270, %rem3A_276 : vector<16xi32>
      %ne3A_278 = arith.constant 0 : i32
      %ne3A_279 = vector.broadcast %ne3A_278 : i32 to vector<16xi32>
      %ne3A_280 = arith.cmpi ne, %rem3A_277, %ne3A_279 : vector<16xi32>
      %lt3A_281 = arith.constant 0 : i32
      %lt3A_282 = vector.broadcast %lt3A_281 : i32 to vector<16xi32>
      %lt3A_283 = arith.cmpi slt, %rem3A_277, %lt3A_282 : vector<16xi32>
      %lt3A_284 = arith.constant 0 : i32
      %lt3A_285 = arith.cmpi slt, %select_n3A_275, %lt3A_284 : i32
      %ne3A_286 = vector.broadcast %lt3A_285 : i1 to vector<16xi1>
      %ne3A_287 = vector.broadcast %ne3A_286 : vector<16xi1> to vector<16xi1>
      %ne3A_288 = arith.xori %lt3A_283, %ne3A_287 : vector<16xi1>
      %and3A_289 = arith.andi %ne3A_288, %ne3A_280 : vector<16xi1>
      %add3A_290 = vector.broadcast %select_n3A_275 : i32 to vector<16xi32>
      %add3A_291 = arith.addi %rem3A_277, %add3A_290 : vector<16xi32>
      %select_n3A_292 = arith.select %and3A_289, %add3A_291, %rem3A_277 : vector<16xi1>, vector<16xi32>
      %add3A_293 = arith.constant 64 : i32
      %add3A_294 = vector.broadcast %add3A_293 : i32 to vector<16xi32>
      %add3A_295 = arith.addi %select_n3A_292, %add3A_294 : vector<16xi32>
      %jit3A_296 = arith.constant 64 : i32
      %eq3A_297 = arith.constant 0 : i32
      %eq3A_298 = arith.cmpi eq, %jit3A_296, %eq3A_297 : i32
      %jit3A_299 = arith.constant 1 : i32
      %select_n3A_300 = arith.select %eq3A_298, %jit3A_299, %jit3A_296 : i32
      %rem3A_301 = vector.broadcast %select_n3A_300 : i32 to vector<16xi32>
      %rem3A_302 = arith.remsi %add3A_295, %rem3A_301 : vector<16xi32>
      %ne3A_303 = arith.constant 0 : i32
      %ne3A_304 = vector.broadcast %ne3A_303 : i32 to vector<16xi32>
      %ne3A_305 = arith.cmpi ne, %rem3A_302, %ne3A_304 : vector<16xi32>
      %lt3A_306 = arith.constant 0 : i32
      %lt3A_307 = vector.broadcast %lt3A_306 : i32 to vector<16xi32>
      %lt3A_308 = arith.cmpi slt, %rem3A_302, %lt3A_307 : vector<16xi32>
      %lt3A_309 = arith.constant 0 : i32
      %lt3A_310 = arith.cmpi slt, %select_n3A_300, %lt3A_309 : i32
      %ne3A_311 = vector.broadcast %lt3A_310 : i1 to vector<16xi1>
      %ne3A_312 = vector.broadcast %ne3A_311 : vector<16xi1> to vector<16xi1>
      %ne3A_313 = arith.xori %lt3A_308, %ne3A_312 : vector<16xi1>
      %and3A_314 = arith.andi %ne3A_313, %ne3A_305 : vector<16xi1>
      %add3A_315 = vector.broadcast %select_n3A_300 : i32 to vector<16xi32>
      %add3A_316 = arith.addi %rem3A_302, %add3A_315 : vector<16xi32>
      %select_n3A_317 = arith.select %and3A_314, %add3A_316, %rem3A_302 : vector<16xi1>, vector<16xi32>
      %mul3A_318 = arith.constant 16 : i32
      %mul3A_319 = arith.muli %scan3A_104, %mul3A_318 : i32
      %mul3A_320 = arith.constant 4 : i32
      %mul3A_321 = arith.muli %mul3A_319, %mul3A_320 : i32
      %add3A_322 = arith.constant 3 : i32
      %add3A_323 = arith.addi %mul3A_321, %add3A_322 : i32
      %add3A_324 = vector.broadcast %add3A_323 : i32 to vector<16xi32>
      %add3A_325 = arith.addi %mul3A_49, %add3A_324 : vector<16xi32>
      %gather3A_326 = tpu.vector_load_idx %arg5[%add3A_325] : memref<8704xf32, #tpu.memory_space<vmem>>[vector<16xi32>], vector<16xf32>,
      %div3A_327 = arith.constant 2.000000e+00 : f32
      %div3A_328 = vector.broadcast %div3A_327 : f32 to vector<16xf32>
      %div3A_329 = arith.divf %gather3A_326, %div3A_328 : vector<16xf32>
      %convert_element_type3A_330 = arith.fptosi %div3A_329 : vector<16xf32> to vector<16xi32>
      %convert_element_type3A_331 = arith.sitofp %convert_element_type3A_330 : vector<16xi32> to vector<16xf32>
      %lt3A_332 = arith.constant 0.000000e+00 : f32
      %lt3A_333 = vector.broadcast %lt3A_332 : f32 to vector<16xf32>
      %lt3A_334 = arith.cmpf olt, %div3A_329, %lt3A_333 : vector<16xf32>
      %ne3A_335 = arith.cmpf one, %convert_element_type3A_331, %div3A_329 : vector<16xf32>
      %and3A_336 = arith.andi %lt3A_334, %ne3A_335 : vector<16xi1>
      %jit3A_337 = arith.constant 1 : i32
      %jit3A_338 = arith.constant 0 : i32
      %broadcast_in_dim3A_339 = vector.broadcast %jit3A_337 : i32 to vector<16xi32>
      %broadcast_in_dim3A_340 = vector.broadcast %jit3A_338 : i32 to vector<16xi32>
      %select_n3A_341 = arith.select %and3A_336, %broadcast_in_dim3A_339, %broadcast_in_dim3A_340 : vector<16xi1>, vector<16xi32>
      %sub3A_342 = arith.subi %convert_element_type3A_330, %select_n3A_341 : vector<16xi32>
      %jit3A_343 = arith.constant 64 : i32
      %eq3A_344 = arith.constant 0 : i32
      %eq3A_345 = arith.cmpi eq, %jit3A_343, %eq3A_344 : i32
      %jit3A_346 = arith.constant 1 : i32
      %select_n3A_347 = arith.select %eq3A_345, %jit3A_346, %jit3A_343 : i32
      %rem3A_348 = vector.broadcast %select_n3A_347 : i32 to vector<16xi32>
      %rem3A_349 = arith.remsi %sub3A_342, %rem3A_348 : vector<16xi32>
      %ne3A_350 = arith.constant 0 : i32
      %ne3A_351 = vector.broadcast %ne3A_350 : i32 to vector<16xi32>
      %ne3A_352 = arith.cmpi ne, %rem3A_349, %ne3A_351 : vector<16xi32>
      %lt3A_353 = arith.constant 0 : i32
      %lt3A_354 = vector.broadcast %lt3A_353 : i32 to vector<16xi32>
      %lt3A_355 = arith.cmpi slt, %rem3A_349, %lt3A_354 : vector<16xi32>
      %lt3A_356 = arith.constant 0 : i32
      %lt3A_357 = arith.cmpi slt, %select_n3A_347, %lt3A_356 : i32
      %ne3A_358 = vector.broadcast %lt3A_357 : i1 to vector<16xi1>
      %ne3A_359 = vector.broadcast %ne3A_358 : vector<16xi1> to vector<16xi1>
      %ne3A_360 = arith.xori %lt3A_355, %ne3A_359 : vector<16xi1>
      %and3A_361 = arith.andi %ne3A_360, %ne3A_352 : vector<16xi1>
      %add3A_362 = vector.broadcast %select_n3A_347 : i32 to vector<16xi32>
      %add3A_363 = arith.addi %rem3A_349, %add3A_362 : vector<16xi32>
      %select_n3A_364 = arith.select %and3A_361, %add3A_363, %rem3A_349 : vector<16xi1>, vector<16xi32>
      %add3A_365 = arith.constant 64 : i32
      %add3A_366 = vector.broadcast %add3A_365 : i32 to vector<16xi32>
      %add3A_367 = arith.addi %select_n3A_364, %add3A_366 : vector<16xi32>
      %jit3A_368 = arith.constant 64 : i32
      %eq3A_369 = arith.constant 0 : i32
      %eq3A_370 = arith.cmpi eq, %jit3A_368, %eq3A_369 : i32
      %jit3A_371 = arith.constant 1 : i32
      %select_n3A_372 = arith.select %eq3A_370, %jit3A_371, %jit3A_368 : i32
      %rem3A_373 = vector.broadcast %select_n3A_372 : i32 to vector<16xi32>
      %rem3A_374 = arith.remsi %add3A_367, %rem3A_373 : vector<16xi32>
      %ne3A_375 = arith.constant 0 : i32
      %ne3A_376 = vector.broadcast %ne3A_375 : i32 to vector<16xi32>
      %ne3A_377 = arith.cmpi ne, %rem3A_374, %ne3A_376 : vector<16xi32>
      %lt3A_378 = arith.constant 0 : i32
      %lt3A_379 = vector.broadcast %lt3A_378 : i32 to vector<16xi32>
      %lt3A_380 = arith.cmpi slt, %rem3A_374, %lt3A_379 : vector<16xi32>
      %lt3A_381 = arith.constant 0 : i32
      %lt3A_382 = arith.cmpi slt, %select_n3A_372, %lt3A_381 : i32
      %ne3A_383 = vector.broadcast %lt3A_382 : i1 to vector<16xi1>
      %ne3A_384 = vector.broadcast %ne3A_383 : vector<16xi1> to vector<16xi1>
      %ne3A_385 = arith.xori %lt3A_380, %ne3A_384 : vector<16xi1>
      %and3A_386 = arith.andi %ne3A_385, %ne3A_377 : vector<16xi1>
      %add3A_387 = vector.broadcast %select_n3A_372 : i32 to vector<16xi32>
      %add3A_388 = arith.addi %rem3A_374, %add3A_387 : vector<16xi32>
      %select_n3A_389 = arith.select %and3A_386, %add3A_388, %rem3A_374 : vector<16xi1>, vector<16xi32>
      %mul3A_390 = arith.constant 64 : i32
      %mul3A_391 = vector.broadcast %mul3A_390 : i32 to vector<16xi32>
      %mul3A_392 = arith.muli %select_n3A_389, %mul3A_391 : vector<16xi32>
      %add3A_393 = arith.addi %mul3A_392, %select_n3A_317 : vector<16xi32>
      %mul3A_394 = arith.constant 64 : i32
      %mul3A_395 = vector.broadcast %mul3A_394 : i32 to vector<16xi32>
      %mul3A_396 = arith.muli %add3A_393, %mul3A_395 : vector<16xi32>
      %add3A_397 = arith.addi %mul3A_396, %select_n3A_245 : vector<16xi32>
      %mul3A_398 = arith.constant 64 : i32
      %mul3A_399 = vector.broadcast %mul3A_398 : i32 to vector<16xi32>
      %mul3A_400 = arith.muli %add3A_397, %mul3A_399 : vector<16xi32>
      %add3A_401 = arith.addi %mul3A_400, %select_n3A_173 : vector<16xi32>
      %mul3A_402 = arith.constant 16 : i32
      %mul3A_403 = arith.muli %scan3A_104, %mul3A_402 : i32
      %swap3A = arith.index_cast %mul3A_403 : i32 to index
      %swap3A_404 = tpu.vector_load %arg6[%swap3A] {strides = array<i32>} : memref<2176xi32, #tpu.memory_space<vmem>>, vector<16xi32>,
      tpu.vector_store %arg6[%swap3A], %add3A_401 {strides = array<i32>} : memref<2176xi32, #tpu.memory_space<vmem>>, vector<16xi32>,
      %scan3A_405 = arith.constant 0 : i32
      scf.yield %scan3A_405 : i32
    }
    %scan3A_55 = arith.constant 136 : i32
    %iota3A_56 = tpu.iota {dimensions = array<i32: 0>} : vector<16xi32>
    %broadcast_in_dim3A = arith.constant 0 : i32
    %broadcast_in_dim3A_57 = vector.broadcast %broadcast_in_dim3A : i32 to vector<16xi32>
    %scan3A_58 = arith.constant 0 : i32
    %scan3A_59 = arith.constant 0 : i32
    %scan3A_60 = arith.constant 16 : i32
    %scan3A_61 = arith.addi %scan3A_59, %scan3A_60 : i32
    %scan3A_62 = arith.constant 1 : i32
    %scan3A_63 = scf.for %scan3A_104 = %scan3A_59 to %scan3A_61 step %scan3A_62 iter_args(%scan3A_105 = %scan3A_58) -> (i32)  : i32 {
      %mul3A_106 = arith.constant 16 : i32
      %mul3A_107 = arith.muli %scan3A_104, %mul3A_106 : i32
      %swap3A = arith.index_cast %mul3A_107 : i32 to index
      %swap3A_108 = tpu.vector_load %arg7[%swap3A] {strides = array<i32>} : memref<256xi32, #tpu.memory_space<vmem>>, vector<16xi32>,
      tpu.vector_store %arg7[%swap3A], %broadcast_in_dim3A_57 {strides = array<i32>} : memref<256xi32, #tpu.memory_space<vmem>>, vector<16xi32>,
      %scan3A_109 = arith.constant 0 : i32
      scf.yield %scan3A_109 : i32
    }
    %scan3A_64 = arith.constant 16 : i32
    %scan3A_65 = arith.constant 0 : i32
    %scan3A_66 = arith.constant 0 : i32
    %scan3A_67 = arith.constant 64 : i32
    %scan3A_68 = arith.addi %scan3A_66, %scan3A_67 : i32
    %scan3A_69 = arith.constant 1 : i32
    %scan3A_70 = scf.for %scan3A_104 = %scan3A_66 to %scan3A_68 step %scan3A_69 iter_args(%scan3A_105 = %scan3A_65) -> (i32)  : i32 {
      %mul3A_106 = arith.constant 2 : i32
      %mul3A_107 = arith.muli %mul3A_106, %scan3A_104 : i32
      %add3A_108 = arith.constant 0 : i32
      %add3A_109 = arith.addi %mul3A_107, %add3A_108 : i32
      %mul3A_110 = arith.constant 16 : i32
      %mul3A_111 = arith.muli %add3A_109, %mul3A_110 : i32
      %add3A_112 = arith.constant 128 : i32
      %add3A_113 = arith.addi %add3A_112, %mul3A_111 : i32
      %get3A = arith.index_cast %add3A_113 : i32 to index
      %get3A_114 = tpu.vector_load %arg6[%get3A] {strides = array<i32>} : memref<2176xi32, #tpu.memory_space<vmem>>, vector<16xi32>,
      %shift_right_arithmetic3A = arith.constant 8 : i32
      %shift_right_arithmetic3A_115 = vector.broadcast %shift_right_arithmetic3A : i32 to vector<16xi32>
      %shift_right_arithmetic3A_116 = arith.shrsi %get3A_114, %shift_right_arithmetic3A_115 : vector<16xi32>
      %xor3A = arith.xori %get3A_114, %shift_right_arithmetic3A_116 : vector<16xi32>
      %shift_right_arithmetic3A_117 = arith.constant 16 : i32
      %shift_right_arithmetic3A_118 = vector.broadcast %shift_right_arithmetic3A_117 : i32 to vector<16xi32>
      %shift_right_arithmetic3A_119 = arith.shrsi %get3A_114, %shift_right_arithmetic3A_118 : vector<16xi32>
      %xor3A_120 = arith.xori %xor3A, %shift_right_arithmetic3A_119 : vector<16xi32>
      %and3A_121 = arith.constant 255 : i32
      %and3A_122 = vector.broadcast %and3A_121 : i32 to vector<16xi32>
      %and3A_123 = arith.andi %xor3A_120, %and3A_122 : vector<16xi32>
      %broadcast_in_dim3A_124 = arith.constant true
      %broadcast_in_dim3A_125 = vector.broadcast %broadcast_in_dim3A_124 : i1 to vector<16xi1>
      %unique3A, %unique3A_126 = tpu.scan_count mask(%broadcast_in_dim3A_125 : vector<16xi1>) value(%and3A_123 : vector<16xi32>) : vector<16xi1>, vector<16xi32>
      tpu.vector_store_idx %arg7[%and3A_123], %unique3A_126 masked %unique3A {add = true} : memref<256xi32, #tpu.memory_space<vmem>>[vector<16xi32>], vector<16xi32>, vector<16xi1>
      %swap3A = arith.index_cast %mul3A_111 : i32 to index
      %swap3A_127 = tpu.vector_load %arg10[%swap3A] {strides = array<i32>} : memref<2048xi32, #tpu.memory_space<vmem>>, vector<16xi32>,
      tpu.vector_store %arg10[%swap3A], %unique3A_126 {strides = array<i32>} : memref<2048xi32, #tpu.memory_space<vmem>>, vector<16xi32>,
      %convert_element_type3A = arith.extui %unique3A : vector<16xi1> to vector<16xi32>
      %swap3A_128 = arith.index_cast %mul3A_111 : i32 to index
      %swap3A_129 = tpu.vector_load %arg11[%swap3A_128] {strides = array<i32>} : memref<2048xi32, #tpu.memory_space<vmem>>, vector<16xi32>,
      tpu.vector_store %arg11[%swap3A_128], %convert_element_type3A {strides = array<i32>} : memref<2048xi32, #tpu.memory_space<vmem>>, vector<16xi32>,
      %mul3A_130 = arith.constant 2 : i32
      %mul3A_131 = arith.muli %mul3A_130, %scan3A_104 : i32
      %add3A_132 = arith.constant 1 : i32
      %add3A_133 = arith.addi %mul3A_131, %add3A_132 : i32
      %mul3A_134 = arith.constant 16 : i32
      %mul3A_135 = arith.muli %add3A_133, %mul3A_134 : i32
      %add3A_136 = arith.constant 128 : i32
      %add3A_137 = arith.addi %add3A_136, %mul3A_135 : i32
      %get3A_138 = arith.index_cast %add3A_137 : i32 to index
      %get3A_139 = tpu.vector_load %arg6[%get3A_138] {strides = array<i32>} : memref<2176xi32, #tpu.memory_space<vmem>>, vector<16xi32>,
      %shift_right_arithmetic3A_140 = arith.constant 8 : i32
      %shift_right_arithmetic3A_141 = vector.broadcast %shift_right_arithmetic3A_140 : i32 to vector<16xi32>
      %shift_right_arithmetic3A_142 = arith.shrsi %get3A_139, %shift_right_arithmetic3A_141 : vector<16xi32>
      %xor3A_143 = arith.xori %get3A_139, %shift_right_arithmetic3A_142 : vector<16xi32>
      %shift_right_arithmetic3A_144 = arith.constant 16 : i32
      %shift_right_arithmetic3A_145 = vector.broadcast %shift_right_arithmetic3A_144 : i32 to vector<16xi32>
      %shift_right_arithmetic3A_146 = arith.shrsi %get3A_139, %shift_right_arithmetic3A_145 : vector<16xi32>
      %xor3A_147 = arith.xori %xor3A_143, %shift_right_arithmetic3A_146 : vector<16xi32>
      %and3A_148 = arith.constant 255 : i32
      %and3A_149 = vector.broadcast %and3A_148 : i32 to vector<16xi32>
      %and3A_150 = arith.andi %xor3A_147, %and3A_149 : vector<16xi32>
      %broadcast_in_dim3A_151 = arith.constant true
      %broadcast_in_dim3A_152 = vector.broadcast %broadcast_in_dim3A_151 : i1 to vector<16xi1>
      %unique3A_153, %unique3A_154 = tpu.scan_count mask(%broadcast_in_dim3A_152 : vector<16xi1>) value(%and3A_150 : vector<16xi32>) : vector<16xi1>, vector<16xi32>
      tpu.vector_store_idx %arg7[%and3A_150], %unique3A_154 masked %unique3A_153 {add = true} : memref<256xi32, #tpu.memory_space<vmem>>[vector<16xi32>], vector<16xi32>, vector<16xi1>
      %swap3A_155 = arith.index_cast %mul3A_135 : i32 to index
      %swap3A_156 = tpu.vector_load %arg10[%swap3A_155] {strides = array<i32>} : memref<2048xi32, #tpu.memory_space<vmem>>, vector<16xi32>,
      tpu.vector_store %arg10[%swap3A_155], %unique3A_154 {strides = array<i32>} : memref<2048xi32, #tpu.memory_space<vmem>>, vector<16xi32>,
      %convert_element_type3A_157 = arith.extui %unique3A_153 : vector<16xi1> to vector<16xi32>
      %swap3A_158 = arith.index_cast %mul3A_135 : i32 to index
      %swap3A_159 = tpu.vector_load %arg11[%swap3A_158] {strides = array<i32>} : memref<2048xi32, #tpu.memory_space<vmem>>, vector<16xi32>,
      tpu.vector_store %arg11[%swap3A_158], %convert_element_type3A_157 {strides = array<i32>} : memref<2048xi32, #tpu.memory_space<vmem>>, vector<16xi32>,
      %scan3A_160 = arith.constant 0 : i32
      scf.yield %scan3A_160 : i32
    }
    %scan3A_71 = arith.constant 64 : i32
    %scan3A_72 = arith.constant 0 : i32
    %scan3A_73 = arith.constant 0 : i32
    %scan3A_74 = arith.constant 16 : i32
    %scan3A_75 = arith.addi %scan3A_73, %scan3A_74 : i32
    %scan3A_76 = arith.constant 1 : i32
    %scan3A_77 = scf.for %scan3A_104 = %scan3A_73 to %scan3A_75 step %scan3A_76 iter_args(%scan3A_105 = %scan3A_72) -> (i32)  : i32 {
      %mul3A_106 = arith.constant 16 : i32
      %mul3A_107 = arith.muli %scan3A_104, %mul3A_106 : i32
      %get3A = arith.index_cast %mul3A_107 : i32 to index
      %get3A_108 = tpu.vector_load %arg7[%get3A] {strides = array<i32>} : memref<256xi32, #tpu.memory_space<vmem>>, vector<16xi32>,
      %broadcast_in_dim3A_109 = arith.constant true
      %broadcast_in_dim3A_110 = vector.broadcast %broadcast_in_dim3A_109 : i1 to vector<16xi1>
      %masked_cumsum3A = tpu.scan <sum>, %get3A_108 masked %broadcast_in_dim3A_110 : vector<16xi32>, vector<16xi1> -> vector<16xi32>
      %add3A_111 = vector.broadcast %scan3A_105 : i32 to vector<16xi32>
      %add3A_112 = arith.addi %add3A_111, %masked_cumsum3A : vector<16xi32>
      %sub3A_113 = arith.subi %add3A_112, %get3A_108 : vector<16xi32>
      %shift_left3A = arith.constant 12 : i32
      %shift_left3A_114 = vector.broadcast %shift_left3A : i32 to vector<16xi32>
      %shift_left3A_115 = arith.shli %sub3A_113, %shift_left3A_114 : vector<16xi32>
      %or3A = arith.ori %shift_left3A_115, %get3A_108 : vector<16xi32>
      %mul3A_116 = arith.constant 16 : i32
      %mul3A_117 = arith.muli %scan3A_104, %mul3A_116 : i32
      %swap3A = arith.index_cast %mul3A_117 : i32 to index
      %swap3A_118 = tpu.vector_load %arg8[%swap3A] {strides = array<i32>} : memref<256xi32, #tpu.memory_space<vmem>>, vector<16xi32>,
      tpu.vector_store %arg8[%swap3A], %or3A {strides = array<i32>} : memref<256xi32, #tpu.memory_space<vmem>>, vector<16xi32>,
      %mul3A_119 = arith.constant 16 : i32
      %mul3A_120 = arith.muli %scan3A_104, %mul3A_119 : i32
      %swap3A_121 = arith.index_cast %mul3A_120 : i32 to index
      %swap3A_122 = tpu.vector_load %arg9[%swap3A_121] {strides = array<i32>} : memref<256xi32, #tpu.memory_space<vmem>>, vector<16xi32>,
      tpu.vector_store %arg9[%swap3A_121], %sub3A_113 {strides = array<i32>} : memref<256xi32, #tpu.memory_space<vmem>>, vector<16xi32>,
      %reduce_max3A = arith.constant true
      %reduce_max3A_123 = vector.broadcast %reduce_max3A : i1 to vector<16xi1>
      %reduce_max3A_124 = arith.constant -2147483648 : i32
      %reduce_max3A_125 = vector.broadcast %reduce_max3A_124 : i32 to vector<16xi32>
      %reduce_max3A_126 = arith.xori %masked_cumsum3A, %reduce_max3A_125 : vector<16xi32>
      %reduce_max3A_127 = tpu.scan <max>, %reduce_max3A_126 masked %reduce_max3A_123 : vector<16xi32>, vector<16xi1> -> vector<16xi32>
      %reduce_max3A_128 = arith.xori %reduce_max3A_127, %reduce_max3A_125 : vector<16xi32>
      %reduce_max3A_129 = vector.extract %reduce_max3A_128[15] : i32 from vector<16xi32>
      %add3A_130 = arith.addi %scan3A_105, %reduce_max3A_129 : i32
      scf.yield %add3A_130 : i32
    }
    %scan3A_78 = arith.constant 16 : i32
    %scan3A_79 = arith.constant 0 : i32
    %scan3A_80 = arith.constant 0 : i32
    %scan3A_81 = arith.constant 128 : i32
    %scan3A_82 = arith.addi %scan3A_80, %scan3A_81 : i32
    %scan3A_83 = arith.constant 1 : i32
    %scan3A_84 = scf.for %scan3A_104 = %scan3A_80 to %scan3A_82 step %scan3A_83 iter_args(%scan3A_105 = %scan3A_79) -> (i32)  : i32 {
      %mul3A_106 = arith.constant 16 : i32
      %mul3A_107 = arith.muli %scan3A_104, %mul3A_106 : i32
      %add3A_108 = arith.constant 128 : i32
      %add3A_109 = arith.addi %add3A_108, %mul3A_107 : i32
      %get3A = arith.index_cast %add3A_109 : i32 to index
      %get3A_110 = tpu.vector_load %arg6[%get3A] {strides = array<i32>} : memref<2176xi32, #tpu.memory_space<vmem>>, vector<16xi32>,
      %shift_right_arithmetic3A = arith.constant 8 : i32
      %shift_right_arithmetic3A_111 = vector.broadcast %shift_right_arithmetic3A : i32 to vector<16xi32>
      %shift_right_arithmetic3A_112 = arith.shrsi %get3A_110, %shift_right_arithmetic3A_111 : vector<16xi32>
      %xor3A = arith.xori %get3A_110, %shift_right_arithmetic3A_112 : vector<16xi32>
      %shift_right_arithmetic3A_113 = arith.constant 16 : i32
      %shift_right_arithmetic3A_114 = vector.broadcast %shift_right_arithmetic3A_113 : i32 to vector<16xi32>
      %shift_right_arithmetic3A_115 = arith.shrsi %get3A_110, %shift_right_arithmetic3A_114 : vector<16xi32>
      %xor3A_116 = arith.xori %xor3A, %shift_right_arithmetic3A_115 : vector<16xi32>
      %and3A_117 = arith.constant 255 : i32
      %and3A_118 = vector.broadcast %and3A_117 : i32 to vector<16xi32>
      %and3A_119 = arith.andi %xor3A_116, %and3A_118 : vector<16xi32>
      %mul3A_120 = arith.constant 16 : i32
      %mul3A_121 = arith.muli %scan3A_104, %mul3A_120 : i32
      %get3A_122 = arith.index_cast %mul3A_121 : i32 to index
      %get3A_123 = tpu.vector_load %arg10[%get3A_122] {strides = array<i32>} : memref<2048xi32, #tpu.memory_space<vmem>>, vector<16xi32>,
      %mul3A_124 = arith.constant 16 : i32
      %mul3A_125 = arith.muli %scan3A_104, %mul3A_124 : i32
      %get3A_126 = arith.index_cast %mul3A_125 : i32 to index
      %get3A_127 = tpu.vector_load %arg11[%get3A_126] {strides = array<i32>} : memref<2048xi32, #tpu.memory_space<vmem>>, vector<16xi32>,
      %eq3A = arith.constant 1 : i32
      %eq3A_128 = vector.broadcast %eq3A : i32 to vector<16xi32>
      %eq3A_129 = arith.cmpi eq, %get3A_127, %eq3A_128 : vector<16xi32>
      %gather3A = tpu.vector_load_idx %arg9[%and3A_119] : memref<256xi32, #tpu.memory_space<vmem>>[vector<16xi32>], vector<16xi32>,
      %add3A_130 = arith.addi %gather3A, %get3A_123 : vector<16xi32>
      %sub3A_131 = arith.constant 1 : i32
      %sub3A_132 = vector.broadcast %sub3A_131 : i32 to vector<16xi32>
      %sub3A_133 = arith.subi %add3A_130, %sub3A_132 : vector<16xi32>
      %shift_right_arithmetic3A_134 = arith.constant 8 : i32
      %shift_right_arithmetic3A_135 = vector.broadcast %shift_right_arithmetic3A_134 : i32 to vector<16xi32>
      %shift_right_arithmetic3A_136 = arith.shrsi %get3A_110, %shift_right_arithmetic3A_135 : vector<16xi32>
      %shift_left3A = arith.constant 11 : i32
      %shift_left3A_137 = vector.broadcast %shift_left3A : i32 to vector<16xi32>
      %shift_left3A_138 = arith.shli %shift_right_arithmetic3A_136, %shift_left3A_137 : vector<16xi32>
      %mul3A_139 = arith.constant 16 : i32
      %mul3A_140 = arith.muli %scan3A_104, %mul3A_139 : i32
      %add3A_141 = vector.broadcast %mul3A_140 : i32 to vector<16xi32>
      %add3A_142 = arith.addi %iota3A_56, %add3A_141 : vector<16xi32>
      %or3A = arith.ori %shift_left3A_138, %add3A_142 : vector<16xi32>
      tpu.vector_store_idx %arg12[%sub3A_133], %or3A : memref<2048xi32, #tpu.memory_space<vmem>>[vector<16xi32>], vector<16xi32>,
      tpu.vector_store_idx %arg9[%and3A_119], %get3A_123 masked %eq3A_129 {add = true} : memref<256xi32, #tpu.memory_space<vmem>>[vector<16xi32>], vector<16xi32>, vector<16xi1>
      %scan3A_143 = arith.constant 0 : i32
      scf.yield %scan3A_143 : i32
    }
    %scan3A_85 = arith.constant 128 : i32
    %broadcast_in_dim3A_86 = arith.constant -1 : i32
    %broadcast_in_dim3A_87 = vector.broadcast %broadcast_in_dim3A_86 : i32 to vector<16xi32>
    %scan3A_88 = arith.constant 0 : i32
    %scan3A_89 = arith.constant 0 : i32
    %scan3A_90 = arith.constant 256 : i32
    %scan3A_91 = arith.addi %scan3A_89, %scan3A_90 : i32
    %scan3A_92 = arith.constant 1 : i32
    %scan3A_93 = scf.for %scan3A_104 = %scan3A_89 to %scan3A_91 step %scan3A_92 iter_args(%scan3A_105 = %scan3A_88) -> (i32)  : i32 {
      %mul3A_106 = arith.constant 16 : i32
      %mul3A_107 = arith.muli %scan3A_104, %mul3A_106 : i32
      %swap3A = arith.index_cast %mul3A_107 : i32 to index
      %swap3A_108 = tpu.vector_load %arg14[%swap3A] {strides = array<i32>} : memref<4096xi32, #tpu.memory_space<vmem>>, vector<16xi32>,
      tpu.vector_store %arg14[%swap3A], %broadcast_in_dim3A_87 {strides = array<i32>} : memref<4096xi32, #tpu.memory_space<vmem>>, vector<16xi32>,
      %scan3A_109 = arith.constant 0 : i32
      scf.yield %scan3A_109 : i32
    }
    %scan3A_94 = arith.constant 256 : i32
    %scan3A_95 = arith.constant 0 : i32
    %scan3A_96 = arith.constant 0 : i32
    %scan3A_97 = arith.constant 8 : i32
    %scan3A_98 = arith.addi %scan3A_96, %scan3A_97 : i32
    %scan3A_99 = arith.constant 1 : i32
    %scan3A_100 = scf.for %scan3A_104 = %scan3A_96 to %scan3A_98 step %scan3A_99 iter_args(%scan3A_105 = %scan3A_95) -> (i32)  : i32 {
      %mul3A_106 = arith.constant 16 : i32
      %mul3A_107 = arith.muli %scan3A_104, %mul3A_106 : i32
      %get3A = arith.index_cast %mul3A_107 : i32 to index
      %get3A_108 = tpu.vector_load %arg6[%get3A] {strides = array<i32>} : memref<2176xi32, #tpu.memory_space<vmem>>, vector<16xi32>,
      %shift_right_arithmetic3A = arith.constant 8 : i32
      %shift_right_arithmetic3A_109 = vector.broadcast %shift_right_arithmetic3A : i32 to vector<16xi32>
      %shift_right_arithmetic3A_110 = arith.shrsi %get3A_108, %shift_right_arithmetic3A_109 : vector<16xi32>
      %xor3A = arith.xori %get3A_108, %shift_right_arithmetic3A_110 : vector<16xi32>
      %shift_right_arithmetic3A_111 = arith.constant 16 : i32
      %shift_right_arithmetic3A_112 = vector.broadcast %shift_right_arithmetic3A_111 : i32 to vector<16xi32>
      %shift_right_arithmetic3A_113 = arith.shrsi %get3A_108, %shift_right_arithmetic3A_112 : vector<16xi32>
      %xor3A_114 = arith.xori %xor3A, %shift_right_arithmetic3A_113 : vector<16xi32>
      %and3A_115 = arith.constant 255 : i32
      %and3A_116 = vector.broadcast %and3A_115 : i32 to vector<16xi32>
      %and3A_117 = arith.andi %xor3A_114, %and3A_116 : vector<16xi32>
      %shift_right_arithmetic3A_118 = arith.constant 8 : i32
      %shift_right_arithmetic3A_119 = vector.broadcast %shift_right_arithmetic3A_118 : i32 to vector<16xi32>
      %shift_right_arithmetic3A_120 = arith.shrsi %get3A_108, %shift_right_arithmetic3A_119 : vector<16xi32>
      %shift_left3A = arith.constant 11 : i32
      %shift_left3A_121 = vector.broadcast %shift_left3A : i32 to vector<16xi32>
      %shift_left3A_122 = arith.shli %shift_right_arithmetic3A_120, %shift_left3A_121 : vector<16xi32>
      %gather3A = tpu.vector_load_idx %arg8[%and3A_117] : memref<256xi32, #tpu.memory_space<vmem>>[vector<16xi32>], vector<16xi32>,
      %shift_right_arithmetic3A_123 = arith.constant 12 : i32
      %shift_right_arithmetic3A_124 = vector.broadcast %shift_right_arithmetic3A_123 : i32 to vector<16xi32>
      %shift_right_arithmetic3A_125 = arith.shrsi %gather3A, %shift_right_arithmetic3A_124 : vector<16xi32>
      %and3A_126 = arith.constant 4095 : i32
      %and3A_127 = vector.broadcast %and3A_126 : i32 to vector<16xi32>
      %and3A_128 = arith.andi %gather3A, %and3A_127 : vector<16xi32>
      %add3A_129 = arith.addi %shift_right_arithmetic3A_125, %and3A_128 : vector<16xi32>
      %mul3A_130 = arith.constant 16 : i32
      %mul3A_131 = arith.muli %scan3A_104, %mul3A_130 : i32
      %add3A_132 = vector.broadcast %mul3A_131 : i32 to vector<16xi32>
      %add3A_133 = arith.addi %add3A_132, %iota3A_56 : vector<16xi32>
      %mul3A_134 = arith.constant 32 : i32
      %mul3A_135 = vector.broadcast %mul3A_134 : i32 to vector<16xi32>
      %mul3A_136 = arith.muli %add3A_133, %mul3A_135 : vector<16xi32>
      %reduce_max3A = arith.constant true
      %reduce_max3A_137 = vector.broadcast %reduce_max3A : i1 to vector<16xi1>
      %reduce_max3A_138 = arith.constant -2147483648 : i32
      %reduce_max3A_139 = vector.broadcast %reduce_max3A_138 : i32 to vector<16xi32>
      %reduce_max3A_140 = arith.xori %and3A_128, %reduce_max3A_139 : vector<16xi32>
      %reduce_max3A_141 = tpu.scan <max>, %reduce_max3A_140 masked %reduce_max3A_137 : vector<16xi32>, vector<16xi1> -> vector<16xi32>
      %reduce_max3A_142 = arith.xori %reduce_max3A_141, %reduce_max3A_139 : vector<16xi32>
      %reduce_max3A_143 = vector.extract %reduce_max3A_142[15] : i32 from vector<16xi32>
      %add3A_144 = arith.constant 7 : i32
      %add3A_145 = arith.addi %reduce_max3A_143, %add3A_144 : i32
      %jit3A_146 = arith.constant 8 : i32
      %div3A_147 = arith.divsi %add3A_145, %jit3A_146 : i32
      %sign3A_148 = arith.constant 0 : i32
      %sign3A_149 = arith.cmpi sgt, %add3A_145, %sign3A_148 : i32
      %sign3A_150 = arith.extui %sign3A_149 : i1 to i32
      %sign3A_151 = arith.constant 0 : i32
      %sign3A_152 = arith.cmpi slt, %add3A_145, %sign3A_151 : i32
      %sign3A_153 = arith.extui %sign3A_152 : i1 to i32
      %sign3A_154 = arith.subi %sign3A_150, %sign3A_153 : i32
      %sign3A_155 = arith.constant 0 : i32
      %sign3A_156 = arith.cmpi sgt, %jit3A_146, %sign3A_155 : i32
      %sign3A_157 = arith.extui %sign3A_156 : i1 to i32
      %sign3A_158 = arith.constant 0 : i32
      %sign3A_159 = arith.cmpi slt, %jit3A_146, %sign3A_158 : i32
      %sign3A_160 = arith.extui %sign3A_159 : i1 to i32
      %sign3A_161 = arith.subi %sign3A_157, %sign3A_160 : i32
      %ne3A_162 = arith.cmpi ne, %sign3A_154, %sign3A_161 : i32
      %rem3A_163 = arith.remsi %add3A_145, %jit3A_146 : i32
      %ne3A_164 = arith.constant 0 : i32
      %ne3A_165 = arith.cmpi ne, %rem3A_163, %ne3A_164 : i32
      %and3A_166 = arith.andi %ne3A_162, %ne3A_165 : i1
      %sub3A_167 = arith.constant 1 : i32
      %sub3A_168 = arith.subi %div3A_147, %sub3A_167 : i32
      %select_n3A_169 = arith.select %and3A_166, %sub3A_168, %div3A_147 : i32
      %swap3A = arith.constant 0 : index
      %swap3A_170 = tpu.vector_load %arg13[%swap3A] {strides = array<i32>} : memref<32xi32, #tpu.memory_space<vmem>>, vector<16xi32>,
      tpu.vector_store %arg13[%swap3A], %shift_right_arithmetic3A_125 {strides = array<i32>} : memref<32xi32, #tpu.memory_space<vmem>>, vector<16xi32>,
      %swap3A_171 = arith.constant 16 : index
      %swap3A_172 = tpu.vector_load %arg13[%swap3A_171] {strides = array<i32>} : memref<32xi32, #tpu.memory_space<vmem>>, vector<16xi32>,
      tpu.vector_store %arg13[%swap3A_171], %broadcast_in_dim3A_57 {strides = array<i32>} : memref<32xi32, #tpu.memory_space<vmem>>, vector<16xi32>,
      %while3A = arith.constant 0 : i32
      %while3A_173 = scf.while (%while3A_175 = %while3A) : (i32) -> i32 {
        %lt3A = arith.cmpi slt, %while3A_175, %select_n3A_169 : i32
        scf.condition(%lt3A) %while3A_175 : i32
      } do {
      ^bb0(%while3A_175: i32):
        %get3A_176 = arith.constant 0 : index
        %get3A_177 = tpu.vector_load %arg13[%get3A_176] {strides = array<i32>} : memref<32xi32, #tpu.memory_space<vmem>>, vector<16xi32>,
        %get3A_178 = arith.constant 16 : index
        %get3A_179 = tpu.vector_load %arg13[%get3A_178] {strides = array<i32>} : memref<32xi32, #tpu.memory_space<vmem>>, vector<16xi32>,
        %lt3A = arith.cmpi slt, %get3A_177, %add3A_129 : vector<16xi32>
        %jit3A_180 = arith.constant 0 : i32
        %broadcast_in_dim3A_181 = vector.broadcast %jit3A_180 : i32 to vector<16xi32>
        %select_n3A_182 = arith.select %lt3A, %get3A_177, %broadcast_in_dim3A_181 : vector<16xi1>, vector<16xi32>
        %gather3A_183 = tpu.vector_load_idx %arg12[%select_n3A_182] : memref<2048xi32, #tpu.memory_space<vmem>>[vector<16xi32>], vector<16xi32>,
        %and3A_184 = arith.constant -2048 : i32
        %and3A_185 = vector.broadcast %and3A_184 : i32 to vector<16xi32>
        %and3A_186 = arith.andi %gather3A_183, %and3A_185 : vector<16xi32>
        %eq3A = arith.cmpi eq, %and3A_186, %shift_left3A_122 : vector<16xi32>
        %and3A_187 = arith.andi %lt3A, %eq3A : vector<16xi1>
        %lt3A_188 = arith.constant 32 : i32
        %lt3A_189 = vector.broadcast %lt3A_188 : i32 to vector<16xi32>
        %lt3A_190 = arith.cmpi slt, %get3A_179, %lt3A_189 : vector<16xi32>
        %and3A_191 = arith.andi %and3A_187, %lt3A_190 : vector<16xi1>
        %add3A_192 = arith.addi %mul3A_136, %get3A_179 : vector<16xi32>
        %and3A_193 = arith.constant 2047 : i32
        %and3A_194 = vector.broadcast %and3A_193 : i32 to vector<16xi32>
        %and3A_195 = arith.andi %gather3A_183, %and3A_194 : vector<16xi32>
        tpu.vector_store_idx %arg14[%add3A_192], %and3A_195 masked %and3A_191 : memref<4096xi32, #tpu.memory_space<vmem>>[vector<16xi32>], vector<16xi32>, vector<16xi1>
        %convert_element_type3A = arith.extui %and3A_191 : vector<16xi1> to vector<16xi32>
        %add3A_196 = arith.addi %get3A_179, %convert_element_type3A : vector<16xi32>
        %convert_element_type3A_197 = arith.extui %lt3A : vector<16xi1> to vector<16xi32>
        %add3A_198 = arith.addi %get3A_177, %convert_element_type3A_197 : vector<16xi32>
        %lt3A_199 = arith.cmpi slt, %add3A_198, %add3A_129 : vector<16xi32>
        %jit3A_200 = arith.constant 0 : i32
        %broadcast_in_dim3A_201 = vector.broadcast %jit3A_200 : i32 to vector<16xi32>
        %select_n3A_202 = arith.select %lt3A_199, %add3A_198, %broadcast_in_dim3A_201 : vector<16xi1>, vector<16xi32>
        %gather3A_203 = tpu.vector_load_idx %arg12[%select_n3A_202] : memref<2048xi32, #tpu.memory_space<vmem>>[vector<16xi32>], vector<16xi32>,
        %and3A_204 = arith.constant -2048 : i32
        %and3A_205 = vector.broadcast %and3A_204 : i32 to vector<16xi32>
        %and3A_206 = arith.andi %gather3A_203, %and3A_205 : vector<16xi32>
        %eq3A_207 = arith.cmpi eq, %and3A_206, %shift_left3A_122 : vector<16xi32>
        %and3A_208 = arith.andi %lt3A_199, %eq3A_207 : vector<16xi1>
        %lt3A_209 = arith.constant 32 : i32
        %lt3A_210 = vector.broadcast %lt3A_209 : i32 to vector<16xi32>
        %lt3A_211 = arith.cmpi slt, %add3A_196, %lt3A_210 : vector<16xi32>
        %and3A_212 = arith.andi %and3A_208, %lt3A_211 : vector<16xi1>
        %add3A_213 = arith.addi %mul3A_136, %add3A_196 : vector<16xi32>
        %and3A_214 = arith.constant 2047 : i32
        %and3A_215 = vector.broadcast %and3A_214 : i32 to vector<16xi32>
        %and3A_216 = arith.andi %gather3A_203, %and3A_215 : vector<16xi32>
        tpu.vector_store_idx %arg14[%add3A_213], %and3A_216 masked %and3A_212 : memref<4096xi32, #tpu.memory_space<vmem>>[vector<16xi32>], vector<16xi32>, vector<16xi1>
        %convert_element_type3A_217 = arith.extui %and3A_212 : vector<16xi1> to vector<16xi32>
        %add3A_218 = arith.addi %add3A_196, %convert_element_type3A_217 : vector<16xi32>
        %convert_element_type3A_219 = arith.extui %lt3A_199 : vector<16xi1> to vector<16xi32>
        %add3A_220 = arith.addi %add3A_198, %convert_element_type3A_219 : vector<16xi32>
        %lt3A_221 = arith.cmpi slt, %add3A_220, %add3A_129 : vector<16xi32>
        %jit3A_222 = arith.constant 0 : i32
        %broadcast_in_dim3A_223 = vector.broadcast %jit3A_222 : i32 to vector<16xi32>
        %select_n3A_224 = arith.select %lt3A_221, %add3A_220, %broadcast_in_dim3A_223 : vector<16xi1>, vector<16xi32>
        %gather3A_225 = tpu.vector_load_idx %arg12[%select_n3A_224] : memref<2048xi32, #tpu.memory_space<vmem>>[vector<16xi32>], vector<16xi32>,
        %and3A_226 = arith.constant -2048 : i32
        %and3A_227 = vector.broadcast %and3A_226 : i32 to vector<16xi32>
        %and3A_228 = arith.andi %gather3A_225, %and3A_227 : vector<16xi32>
        %eq3A_229 = arith.cmpi eq, %and3A_228, %shift_left3A_122 : vector<16xi32>
        %and3A_230 = arith.andi %lt3A_221, %eq3A_229 : vector<16xi1>
        %lt3A_231 = arith.constant 32 : i32
        %lt3A_232 = vector.broadcast %lt3A_231 : i32 to vector<16xi32>
        %lt3A_233 = arith.cmpi slt, %add3A_218, %lt3A_232 : vector<16xi32>
        %and3A_234 = arith.andi %and3A_230, %lt3A_233 : vector<16xi1>
        %add3A_235 = arith.addi %mul3A_136, %add3A_218 : vector<16xi32>
        %and3A_236 = arith.constant 2047 : i32
        %and3A_237 = vector.broadcast %and3A_236 : i32 to vector<16xi32>
        %and3A_238 = arith.andi %gather3A_225, %and3A_237 : vector<16xi32>
        tpu.vector_store_idx %arg14[%add3A_235], %and3A_238 masked %and3A_234 : memref<4096xi32, #tpu.memory_space<vmem>>[vector<16xi32>], vector<16xi32>, vector<16xi1>
        %convert_element_type3A_239 = arith.extui %and3A_234 : vector<16xi1> to vector<16xi32>
        %add3A_240 = arith.addi %add3A_218, %convert_element_type3A_239 : vector<16xi32>
        %convert_element_type3A_241 = arith.extui %lt3A_221 : vector<16xi1> to vector<16xi32>
        %add3A_242 = arith.addi %add3A_220, %convert_element_type3A_241 : vector<16xi32>
        %lt3A_243 = arith.cmpi slt, %add3A_242, %add3A_129 : vector<16xi32>
        %jit3A_244 = arith.constant 0 : i32
        %broadcast_in_dim3A_245 = vector.broadcast %jit3A_244 : i32 to vector<16xi32>
        %select_n3A_246 = arith.select %lt3A_243, %add3A_242, %broadcast_in_dim3A_245 : vector<16xi1>, vector<16xi32>
        %gather3A_247 = tpu.vector_load_idx %arg12[%select_n3A_246] : memref<2048xi32, #tpu.memory_space<vmem>>[vector<16xi32>], vector<16xi32>,
        %and3A_248 = arith.constant -2048 : i32
        %and3A_249 = vector.broadcast %and3A_248 : i32 to vector<16xi32>
        %and3A_250 = arith.andi %gather3A_247, %and3A_249 : vector<16xi32>
        %eq3A_251 = arith.cmpi eq, %and3A_250, %shift_left3A_122 : vector<16xi32>
        %and3A_252 = arith.andi %lt3A_243, %eq3A_251 : vector<16xi1>
        %lt3A_253 = arith.constant 32 : i32
        %lt3A_254 = vector.broadcast %lt3A_253 : i32 to vector<16xi32>
        %lt3A_255 = arith.cmpi slt, %add3A_240, %lt3A_254 : vector<16xi32>
        %and3A_256 = arith.andi %and3A_252, %lt3A_255 : vector<16xi1>
        %add3A_257 = arith.addi %mul3A_136, %add3A_240 : vector<16xi32>
        %and3A_258 = arith.constant 2047 : i32
        %and3A_259 = vector.broadcast %and3A_258 : i32 to vector<16xi32>
        %and3A_260 = arith.andi %gather3A_247, %and3A_259 : vector<16xi32>
        tpu.vector_store_idx %arg14[%add3A_257], %and3A_260 masked %and3A_256 : memref<4096xi32, #tpu.memory_space<vmem>>[vector<16xi32>], vector<16xi32>, vector<16xi1>
        %convert_element_type3A_261 = arith.extui %and3A_256 : vector<16xi1> to vector<16xi32>
        %add3A_262 = arith.addi %add3A_240, %convert_element_type3A_261 : vector<16xi32>
        %convert_element_type3A_263 = arith.extui %lt3A_243 : vector<16xi1> to vector<16xi32>
        %add3A_264 = arith.addi %add3A_242, %convert_element_type3A_263 : vector<16xi32>
        %lt3A_265 = arith.cmpi slt, %add3A_264, %add3A_129 : vector<16xi32>
        %jit3A_266 = arith.constant 0 : i32
        %broadcast_in_dim3A_267 = vector.broadcast %jit3A_266 : i32 to vector<16xi32>
        %select_n3A_268 = arith.select %lt3A_265, %add3A_264, %broadcast_in_dim3A_267 : vector<16xi1>, vector<16xi32>
        %gather3A_269 = tpu.vector_load_idx %arg12[%select_n3A_268] : memref<2048xi32, #tpu.memory_space<vmem>>[vector<16xi32>], vector<16xi32>,
        %and3A_270 = arith.constant -2048 : i32
        %and3A_271 = vector.broadcast %and3A_270 : i32 to vector<16xi32>
        %and3A_272 = arith.andi %gather3A_269, %and3A_271 : vector<16xi32>
        %eq3A_273 = arith.cmpi eq, %and3A_272, %shift_left3A_122 : vector<16xi32>
        %and3A_274 = arith.andi %lt3A_265, %eq3A_273 : vector<16xi1>
        %lt3A_275 = arith.constant 32 : i32
        %lt3A_276 = vector.broadcast %lt3A_275 : i32 to vector<16xi32>
        %lt3A_277 = arith.cmpi slt, %add3A_262, %lt3A_276 : vector<16xi32>
        %and3A_278 = arith.andi %and3A_274, %lt3A_277 : vector<16xi1>
        %add3A_279 = arith.addi %mul3A_136, %add3A_262 : vector<16xi32>
        %and3A_280 = arith.constant 2047 : i32
        %and3A_281 = vector.broadcast %and3A_280 : i32 to vector<16xi32>
        %and3A_282 = arith.andi %gather3A_269, %and3A_281 : vector<16xi32>
        tpu.vector_store_idx %arg14[%add3A_279], %and3A_282 masked %and3A_278 : memref<4096xi32, #tpu.memory_space<vmem>>[vector<16xi32>], vector<16xi32>, vector<16xi1>
        %convert_element_type3A_283 = arith.extui %and3A_278 : vector<16xi1> to vector<16xi32>
        %add3A_284 = arith.addi %add3A_262, %convert_element_type3A_283 : vector<16xi32>
        %convert_element_type3A_285 = arith.extui %lt3A_265 : vector<16xi1> to vector<16xi32>
        %add3A_286 = arith.addi %add3A_264, %convert_element_type3A_285 : vector<16xi32>
        %lt3A_287 = arith.cmpi slt, %add3A_286, %add3A_129 : vector<16xi32>
        %jit3A_288 = arith.constant 0 : i32
        %broadcast_in_dim3A_289 = vector.broadcast %jit3A_288 : i32 to vector<16xi32>
        %select_n3A_290 = arith.select %lt3A_287, %add3A_286, %broadcast_in_dim3A_289 : vector<16xi1>, vector<16xi32>
        %gather3A_291 = tpu.vector_load_idx %arg12[%select_n3A_290] : memref<2048xi32, #tpu.memory_space<vmem>>[vector<16xi32>], vector<16xi32>,
        %and3A_292 = arith.constant -2048 : i32
        %and3A_293 = vector.broadcast %and3A_292 : i32 to vector<16xi32>
        %and3A_294 = arith.andi %gather3A_291, %and3A_293 : vector<16xi32>
        %eq3A_295 = arith.cmpi eq, %and3A_294, %shift_left3A_122 : vector<16xi32>
        %and3A_296 = arith.andi %lt3A_287, %eq3A_295 : vector<16xi1>
        %lt3A_297 = arith.constant 32 : i32
        %lt3A_298 = vector.broadcast %lt3A_297 : i32 to vector<16xi32>
        %lt3A_299 = arith.cmpi slt, %add3A_284, %lt3A_298 : vector<16xi32>
        %and3A_300 = arith.andi %and3A_296, %lt3A_299 : vector<16xi1>
        %add3A_301 = arith.addi %mul3A_136, %add3A_284 : vector<16xi32>
        %and3A_302 = arith.constant 2047 : i32
        %and3A_303 = vector.broadcast %and3A_302 : i32 to vector<16xi32>
        %and3A_304 = arith.andi %gather3A_291, %and3A_303 : vector<16xi32>
        tpu.vector_store_idx %arg14[%add3A_301], %and3A_304 masked %and3A_300 : memref<4096xi32, #tpu.memory_space<vmem>>[vector<16xi32>], vector<16xi32>, vector<16xi1>
        %convert_element_type3A_305 = arith.extui %and3A_300 : vector<16xi1> to vector<16xi32>
        %add3A_306 = arith.addi %add3A_284, %convert_element_type3A_305 : vector<16xi32>
        %convert_element_type3A_307 = arith.extui %lt3A_287 : vector<16xi1> to vector<16xi32>
        %add3A_308 = arith.addi %add3A_286, %convert_element_type3A_307 : vector<16xi32>
        %lt3A_309 = arith.cmpi slt, %add3A_308, %add3A_129 : vector<16xi32>
        %jit3A_310 = arith.constant 0 : i32
        %broadcast_in_dim3A_311 = vector.broadcast %jit3A_310 : i32 to vector<16xi32>
        %select_n3A_312 = arith.select %lt3A_309, %add3A_308, %broadcast_in_dim3A_311 : vector<16xi1>, vector<16xi32>
        %gather3A_313 = tpu.vector_load_idx %arg12[%select_n3A_312] : memref<2048xi32, #tpu.memory_space<vmem>>[vector<16xi32>], vector<16xi32>,
        %and3A_314 = arith.constant -2048 : i32
        %and3A_315 = vector.broadcast %and3A_314 : i32 to vector<16xi32>
        %and3A_316 = arith.andi %gather3A_313, %and3A_315 : vector<16xi32>
        %eq3A_317 = arith.cmpi eq, %and3A_316, %shift_left3A_122 : vector<16xi32>
        %and3A_318 = arith.andi %lt3A_309, %eq3A_317 : vector<16xi1>
        %lt3A_319 = arith.constant 32 : i32
        %lt3A_320 = vector.broadcast %lt3A_319 : i32 to vector<16xi32>
        %lt3A_321 = arith.cmpi slt, %add3A_306, %lt3A_320 : vector<16xi32>
        %and3A_322 = arith.andi %and3A_318, %lt3A_321 : vector<16xi1>
        %add3A_323 = arith.addi %mul3A_136, %add3A_306 : vector<16xi32>
        %and3A_324 = arith.constant 2047 : i32
        %and3A_325 = vector.broadcast %and3A_324 : i32 to vector<16xi32>
        %and3A_326 = arith.andi %gather3A_313, %and3A_325 : vector<16xi32>
        tpu.vector_store_idx %arg14[%add3A_323], %and3A_326 masked %and3A_322 : memref<4096xi32, #tpu.memory_space<vmem>>[vector<16xi32>], vector<16xi32>, vector<16xi1>
        %convert_element_type3A_327 = arith.extui %and3A_322 : vector<16xi1> to vector<16xi32>
        %add3A_328 = arith.addi %add3A_306, %convert_element_type3A_327 : vector<16xi32>
        %convert_element_type3A_329 = arith.extui %lt3A_309 : vector<16xi1> to vector<16xi32>
        %add3A_330 = arith.addi %add3A_308, %convert_element_type3A_329 : vector<16xi32>
        %lt3A_331 = arith.cmpi slt, %add3A_330, %add3A_129 : vector<16xi32>
        %jit3A_332 = arith.constant 0 : i32
        %broadcast_in_dim3A_333 = vector.broadcast %jit3A_332 : i32 to vector<16xi32>
        %select_n3A_334 = arith.select %lt3A_331, %add3A_330, %broadcast_in_dim3A_333 : vector<16xi1>, vector<16xi32>
        %gather3A_335 = tpu.vector_load_idx %arg12[%select_n3A_334] : memref<2048xi32, #tpu.memory_space<vmem>>[vector<16xi32>], vector<16xi32>,
        %and3A_336 = arith.constant -2048 : i32
        %and3A_337 = vector.broadcast %and3A_336 : i32 to vector<16xi32>
        %and3A_338 = arith.andi %gather3A_335, %and3A_337 : vector<16xi32>
        %eq3A_339 = arith.cmpi eq, %and3A_338, %shift_left3A_122 : vector<16xi32>
        %and3A_340 = arith.andi %lt3A_331, %eq3A_339 : vector<16xi1>
        %lt3A_341 = arith.constant 32 : i32
        %lt3A_342 = vector.broadcast %lt3A_341 : i32 to vector<16xi32>
        %lt3A_343 = arith.cmpi slt, %add3A_328, %lt3A_342 : vector<16xi32>
        %and3A_344 = arith.andi %and3A_340, %lt3A_343 : vector<16xi1>
        %add3A_345 = arith.addi %mul3A_136, %add3A_328 : vector<16xi32>
        %and3A_346 = arith.constant 2047 : i32
        %and3A_347 = vector.broadcast %and3A_346 : i32 to vector<16xi32>
        %and3A_348 = arith.andi %gather3A_335, %and3A_347 : vector<16xi32>
        tpu.vector_store_idx %arg14[%add3A_345], %and3A_348 masked %and3A_344 : memref<4096xi32, #tpu.memory_space<vmem>>[vector<16xi32>], vector<16xi32>, vector<16xi1>
        %convert_element_type3A_349 = arith.extui %and3A_344 : vector<16xi1> to vector<16xi32>
        %add3A_350 = arith.addi %add3A_328, %convert_element_type3A_349 : vector<16xi32>
        %convert_element_type3A_351 = arith.extui %lt3A_331 : vector<16xi1> to vector<16xi32>
        %add3A_352 = arith.addi %add3A_330, %convert_element_type3A_351 : vector<16xi32>
        %swap3A_353 = arith.constant 0 : index
        %swap3A_354 = tpu.vector_load %arg13[%swap3A_353] {strides = array<i32>} : memref<32xi32, #tpu.memory_space<vmem>>, vector<16xi32>,
        tpu.vector_store %arg13[%swap3A_353], %add3A_352 {strides = array<i32>} : memref<32xi32, #tpu.memory_space<vmem>>, vector<16xi32>,
        %swap3A_355 = arith.constant 16 : index
        %swap3A_356 = tpu.vector_load %arg13[%swap3A_355] {strides = array<i32>} : memref<32xi32, #tpu.memory_space<vmem>>, vector<16xi32>,
        tpu.vector_store %arg13[%swap3A_355], %add3A_350 {strides = array<i32>} : memref<32xi32, #tpu.memory_space<vmem>>, vector<16xi32>,
        %add3A_357 = arith.constant 1 : i32
        %add3A_358 = arith.addi %while3A_175, %add3A_357 : i32
        scf.yield %add3A_358 : i32
      }
      %scan3A_174 = arith.constant 0 : i32
      scf.yield %scan3A_174 : i32
    }
    %scan3A_101 = arith.constant 8 : i32
    %mul3A_102 = arith.constant 32 : i32
    %mul3A_103 = arith.muli %mul3A_2, %mul3A_102 : i32
    "tpu.region"() ({
      %run_scoped3A = tpu.sem_alloc : memref<!tpu.dma_semaphore, #tpu.memory_space<semaphore_mem>>
      %dma_start3A_104 = tpu.memref_slice %arg4[%mul3A_103] : memref<131072xi32, #tpu.memory_space<hbm>> -> memref<4096xi32, #tpu.memory_space<hbm>>
      %dma_start3A_105 = tpu.memref_slice %arg4[%mul3A_103] : memref<131072xi32, #tpu.memory_space<hbm>> -> memref<4096xi32, #tpu.memory_space<hbm>>
      tpu.enqueue_dma source(%arg14 : memref<4096xi32, #tpu.memory_space<vmem>>) target(%dma_start3A_105 : memref<4096xi32, #tpu.memory_space<hbm>>) target_semaphore(%run_scoped3A : memref<!tpu.dma_semaphore, #tpu.memory_space<semaphore_mem>>)
      %dma_wait3A_106 = tpu.memref_slice %arg4[%mul3A_103] : memref<131072xi32, #tpu.memory_space<hbm>> -> memref<4096xi32, #tpu.memory_space<hbm>>
      %dma_wait3A_107 = tpu.memref_slice %arg4[%mul3A_103] : memref<131072xi32, #tpu.memory_space<hbm>> -> memref<4096xi32, #tpu.memory_space<hbm>>
      tpu.wait_dma2 semaphore(%run_scoped3A : memref<!tpu.dma_semaphore, #tpu.memory_space<semaphore_mem>>) src(%arg14 : memref<4096xi32, #tpu.memory_space<vmem>>) dst(%dma_wait3A_107 : memref<4096xi32, #tpu.memory_space<hbm>>)
      tpu.yield
    }) : () -> ()
    return
  }
}

</mosaic_0001>

<sc_bundles>
// kernel: kernel.3.cloned.1.call-start
scs
__scs_entry_jumppad:
0x0: {  	(pc) =	sbr.rel $0x88, $3  }
0x1: {  	(tag) =	ssettag $0x0;
	lr =	simm.s32 $0x1  }
0x2: {  	[smem:$0x3F9E] =	sst lr;
	_ =	strace $0xD0000000  }
0x3: {  	_ = 	snop  }
0x4: {  	_ = 	snop  }
0x5: {  	_ = 	snop  }
0x6: {  	_ = 	snop  }
0x7: {  	_ = 	snop  }
__scs_overlays_trampoline_lowered:
0x8: {  	[smem:$0x3FAD] =	sst s0  }
0x9: {  	[smem:$0x3FAE] =	sst s1  }
0xa: {  	[smem:$0x3FAF] =	sst s2  }
0xb: {  	[smem:$0x3FB0] =	sst s3  }
0xc: {  	[smem:$0x3FB1] =	sst s4  }
0xd: {  	[smem:$0x3FB2] =	sst s5  }
0xe: {  	[smem:$0x3FB3] =	sst s6  }
0xf: {  	[smem:$0x3FB4] =	sst s7  }
0x10: {  	[smem:$0x3FB5] =	sst s8  }
0x11: {  	[smem:$0x3FB6] =	sst s9;
	s0 =	simm.s32 @!p0 $0x0  }
0x12: {  	s1 =	sld [smem:$0x3F9C];
	s0 =	simm.s32 @p0 $0x1  }
0x13: {  	[smem:$0x3FB7] =	sst s0;
	s0 =	simm.s32 @!p1 $0x0  }
0x14: {  	s2 =	sld [smem:$0x3F9B];
	s0 =	simm.s32 @p1 $0x1  }
0x15: {  	[smem:$0x3FB8] =	sst s0;
	s0 =	simm.s32 @!p2 $0x0  }
0x16: {  	s3 =	sld [smem:$0x3FDB];
	s0 =	simm.s32 @p2 $0x1  }
0x17: {  	s4 =	simm.s32 $0x1BF5;
	[smem:$0x3FBA] =	sst s0  }
0x18: {  	s0 =	sld [smem:$0x3F9D];
	_ =	swait.ge [sflag:s4], $0x0  }
0x19: {  	s7 =	sld [smem:$0x3F9E]  }
0x1a: {  	s8 =	sadd.s32 $0xFFFFE003, lr  }
0x1b: {  	s9 =	sadd.s32 $0xFFFFFEF7, lr;
	s5 =	simm.s32 $0xFFFFFFFF;
	p2 =	slt.u32 s8, $0xFFFFF086  }
0x1c: {  	p1 =	slt.u32 s9, $0xF7A;
	s5 =	simm.s32 @!p2 $0x0  }
0x1d: {  	s5 =	simm.s32 @p1 $0x1;
	p0 =	seq.s32 s7, s2  }
0x1e: {  	s7 =	smul.u32 @!p0 $0xF7A, s2;
	p2 =	seq.s32 @!p0 s5, $0x0  }
0x1f: {  	s9 =	smul.u32 $0xF7A, s1;
	s8 =	simm.s32 @!p0 $0x1BF5;
	p2 =	por !p2, p0  }
0x20: {  	[sflag:s8] =	ssyncset.s32 @!p0 $0xFFFFF086;
	s6 =	sadd.s32 @!p0 s3, s7;
	s7 =	simm.s32 @!p0 $0x108  }
0x21: {  	s3 =	sadd.s32 s3, s9;
	s6 =	sadd.s32 @!p0 $0x88, s6;
	s7 =	simm.s32 @p2 $0x1082  }
0x22: {  	[simem:s7], [sflag:s8] =	dma.local @!p0 [hbm:s6], $0xF7A  }
0x23: {  	s9 =	sor.u32 $0xD0000000, s2;
	s6 =	simm.s32 $0x108;
	_ =	swait.ge @!p0 [sflag:s8], $0x0  }
0x24: {  	s3 =	sadd.s32 $0x88, s3;
	s6 =	simm.s32 @!p1 $0x1082;
	[sflag:s4] =	ssyncset.s32 $0xFFFFF086  }
0x25: {  	[simem:s6], [sflag:s4] =	dma.local [hbm:s3], $0xF7A  }
0x26: {  	[smem:$0x3F9E] =	sst s1;
	(tag) =	ssettag s2;
	_ =	strace s9  }
0x27: {  	s1 =	sld [smem:$0x3FAE]  }
0x28: {  	s2 =	sld [smem:$0x3FAF]  }
0x29: {  	s4 =	sld [smem:$0x3FB1]  }
0x2a: {  	p0 =	seq.s32 s5, $0x0;
	s5 =	sld [smem:$0x3FB2]  }
0x2b: {  	s6 =	sld [smem:$0x3FB3]  }
0x2c: {  	s7 =	sld [smem:$0x3FB4]  }
0x2d: {  	s3 =	simm.s32 $0x108;
	s8 =	sld [smem:$0x3FB5]  }
0x2e: {  	s3 =	simm.s32 @!p0 $0x1082;
	s9 =	sld [smem:$0x3FB6]  }
0x2f: {  	lr =	sadd.s32 s0, s3;
	s0 =	sld [smem:$0x3FAD]  }
0x30: {  	s3 =	sld [smem:$0x3FB0]  }
0x31: {  	[smem:$0x3FB9] =	sst s10  }
0x32: {  	s10 =	sld [smem:$0x3FB7];
	_ =	sdelay $0x3  }
0x33: {  	p0 =	seq.s32 s10, $0x1;
	s10 =	sld [smem:$0x3FB9];
	_ =	sdelay $0x3  }
0x34: {  	[smem:$0x3FB9] =	sst s10  }
0x35: {  	s10 =	sld [smem:$0x3FB8];
	_ =	sdelay $0x3  }
0x36: {  	p1 =	seq.s32 s10, $0x1;
	s10 =	sld [smem:$0x3FB9];
	_ =	sdelay $0x3  }
0x37: {  	[smem:$0x3FB9] =	sst s10  }
0x38: {  	s10 =	sld [smem:$0x3FBA]  }
0x39: {  	_ = 	snop;
	(pc) =	sbr.ind lr, $3  }
0x3a: {  	_ = 	snop  }
0x3b: {  	_ = 	snop  }
0x3c: {  	p2 =	seq.s32 s10, $0x1;
	s10 =	sld [smem:$0x3FB9]  }
0x3d: {  	_ =	shalt  }
0x3e: {  	_ =	shalt  }
0x3f: {  	_ =	shalt  }
0x40: {  	_ =	shalt  }
0x41: {  	_ =	shalt  }
0x42: {  	_ =	shalt  }
0x43: {  	_ =	shalt  }
0x44: {  	_ =	shalt  }
0x45: {  	_ =	shalt  }
0x46: {  	_ =	shalt  }
0x47: {  	_ =	shalt  }
0x48: {  	_ =	shalt  }
0x49: {  	_ =	shalt  }
0x4a: {  	_ =	shalt  }
0x4b: {  	_ =	shalt  }
0x4c: {  	_ =	shalt  }
0x4d: {  	_ =	shalt  }
0x4e: {  	_ =	shalt  }
0x4f: {  	_ =	shalt  }
0x50: {  	_ =	shalt  }
0x51: {  	_ =	shalt  }
0x52: {  	_ =	shalt  }
0x53: {  	_ =	shalt  }
0x54: {  	_ =	shalt  }
0x55: {  	_ =	shalt  }
0x56: {  	_ =	shalt  }
0x57: {  	_ =	shalt  }
0x58: {  	_ =	shalt  }
0x59: {  	_ =	shalt  }
0x5a: {  	_ =	shalt  }
0x5b: {  	_ =	shalt  }
0x5c: {  	_ =	shalt  }
0x5d: {  	_ =	shalt  }
0x5e: {  	_ =	shalt  }
0x5f: {  	_ =	shalt  }
0x60: {  	_ =	shalt  }
0x61: {  	_ =	shalt  }
0x62: {  	_ =	shalt  }
0x63: {  	_ =	shalt  }
0x64: {  	_ =	shalt  }
0x65: {  	_ =	shalt  }
0x66: {  	_ =	shalt  }
0x67: {  	_ =	shalt  }
0x68: {  	_ =	shalt  }
0x69: {  	_ =	shalt  }
0x6a: {  	_ =	shalt  }
0x6b: {  	_ =	shalt  }
0x6c: {  	_ =	shalt  }
0x6d: {  	_ =	shalt  }
0x6e: {  	_ =	shalt  }
0x6f: {  	_ =	shalt  }
0x70: {  	_ =	shalt  }
0x71: {  	_ =	shalt  }
0x72: {  	_ =	shalt  }
0x73: {  	_ =	shalt  }
0x74: {  	_ =	shalt  }
0x75: {  	_ =	shalt  }
0x76: {  	_ =	shalt  }
0x77: {  	_ =	shalt  }
0x78: {  	_ =	shalt  }
0x79: {  	_ =	shalt  }
0x7a: {  	_ =	shalt  }
0x7b: {  	_ =	shalt  }
0x7c: {  	_ =	shalt  }
0x7d: {  	_ =	shalt  }
0x7e: {  	_ =	shalt  }
0x7f: {  	_ =	shalt  }
0x80: {  	_ =	shalt  }
0x81: {  	_ =	shalt  }
0x82: {  	_ =	shalt  }
0x83: {  	_ =	shalt  }
0x84: {  	_ =	shalt  }
0x85: {  	_ =	shalt  }
0x86: {  	_ =	shalt  }
0x87: {  	_ =	shalt  }
.Lfunc_end0:
.L_simem_size_0:
called_computation_lowered:
.L_overlay_start_0:
0x88: {  	s2 =	sld [smem:$0x3FD9]  }
0x89: {  	s3 =	sld [smem:$0x3FFE];
	_ =	sdelay $0x1  }
0x8a: {  	s1 =	srdreg.scid  }
0x8b: {  	s0 =	sand.u32 $0x1, s1  }
0x8c: {  	s17 =	sshll.u32 s0, $0xA;
	s2 =	sadd.s32 s3, s2  }
0x8d: {  	s2 =	sadd.s32 s2, s17  }
0x8e: {  	[smem:$0x3FC5] =	sst s2  }
0x8f: {  	_ = 	snop  }
0x90: {  	s2 =	sld [smem:$0x3FD0];
	(tm) =	ssettm $0x1  }
0x91: {  	s18 =	sld [smem:$0x3FFB];
	_ =	sdelay $0x3  }
0x92: {  	_ =	strace s18  }
0x93: {  	s3 =	sld [smem:$0x3FFC];
	_ =	sdelay $0x3  }
0x94: {  	_ =	strace s3  }
0x95: {  	s3 =	sld [smem:$0x3FFD];
	_ =	sdelay $0x3  }
0x96: {  	_ =	strace s3  }
0x97: {  	_ =	strace $0x8FFFFFFF  }
0x98: {  	s19 =	sld [smem:$0x3FDB];
	_ =	sdelay $0x1  }
0x99: {  	s4 =	simm.s32 $_scs_section_size  }
0x9a: {  	s5 =	simm.s32 $_size__tile_overlayer_lowered;
	s6 =	simm.s32 $_tile_overlayer_lowered  }
0x9b: {  	s22 =	simm.s32 $0x1BFF;
	s21 =	sshll.u32 s6, $0x1;
	s3 =	sadd.s32 s4, s19  }
0x9c: {  	s7 =	simm.s32 $0x0;
	s20 =	sshll.u32 s5, $0x1;
	s5 =	sadd.s32 s21, s3  }
0x9d: {  	[timem:s7], [sflag:s22] =	dma.local [hbm:s5], s20  }
0x9e: {  	_ =	swait.ge [sflag:s22], s20  }
0x9f: {  	s4 =	ssub.s32 $0x0, s20;
	[sflag:s22] =	ssyncset.done $0x0  }
0xa0: {  	[sflag:s22] =	ssyncadd.s32 s4;
	_ =	sdelay $0x1  }
0xa1: {  	s23 =	simm.s32 $0x1B8B  }
0xa2: {  	_ =	swait.ge [sflag:s23], $0x1  }
0xa3: {  	[sflag:s23] =	ssyncset.done $0x0  }
0xa4: {  	s25 =	simm.s32 $0x1B8E;
	s24 =	sld [smem:$0x3FFE];
	[sflag:s23] =	ssyncadd.s32 $0xFFFFFFFF  }
0xa5: {  	s26 =	simm.s32 $execute0_lowered;
	[smem:$0x3FD2] =	sst s25  }
0xa6: {  	s5 =	sshll.u32 s26, $0x1;
	_ =	strace $0x80000046;
	[dreg:$0x1] =	wrdreg $0xFFFFFFFF  }
0xa7: {  	s28 =	simm.s32 $_size_execute0_lowered;
	s3 =	sadd.s32 s3, s5;
	[dreg:$0x0] =	wrdreg $0x0  }
0xa8: {  	s5 =	sshll.u32 s28, $0x1;
	[dreg:$0x2] =	wrdreg s3  }
0xa9: {  	[dreg:$0x3] =	wrdreg s5  }
0xaa: {  	[dreg:$0x4] =	wrdreg $0xC0  }
0xab: {  	_ =	task [dreg:s7], $0x5FFFF  }
0xac: {  	[dreg:$0x1] =	wrdreg $0xFFFFFFFF  }
0xad: {  	[dreg:$0x0] =	wrdreg $0x60  }
0xae: {  	[dreg:$0x2] =	wrdreg s24  }
0xaf: {  	[dreg:$0x3] =	wrdreg s2  }
0xb0: {  	[dreg:$0x4] =	wrdreg $0x9  }
0xb1: {  	_ =	task.clear_ibuf [dreg:s7], $0x5FFFF;
	_ =	strace $0x90000046  }
0xb2: {  	s29 =	simm.s32 $0x9;
	_ =	strace $0x80000048  }
0xb3: {  	_ =	swait.ge [sflag:s29], $0x1  }
0xb4: {  	[sflag:s29] =	ssyncadd.s32 $0xFFFFFFFF  }
0xb5: {  	_ =	strace $0x90000048  }
0xb6: {  	_ =	sfence  }
0xb7: {  	s30 =	sld [smem:$0x0];
	_ =	sdelay $0x2  }
0xb8: {  	s31 =	sshll.u32 s1, $0xD;
	s1 =	sshrl.u32 s1, $0x2  }
0xb9: {  	s3 =	sand.u32 $0x4000, s31;
	s1 =	sadd.s32 s1, s30  }
0xba: {  	s0 =	sor.u32 s3, s0;
	s1 =	sshll.u32 s1, $0x11  }
0xbb: {  	s0 =	sor.u32 s1, s0  }
0xbc: {  	s0 =	sadd.s32 $0x8F2B, s0  }
0xbd: {  	[sflag:s0] =	ssyncadd.remote.s32 $0x1  }
0xbe: {  	_ =	sfence.sel $0xFFFF  }
0xbf: {  	[dreg:$0x0] =	wrdreg $0xFFFFFFFF;
	(pc) =	sbr.abs _section_cstart, $3  }
0xc0: {  	[dreg:$0x1] =	wrdreg $0xFFFFFFFF  }
0xc1: {  	_ =	task.clear_ibuf [dreg:s7], $0x2FFFF;
	_ =	strace $0x9FFFFFFF  }
0xc2: {  	(tm) =	ssettm $0x7FFFFFFF  }
0xc3: {  	_ =	shalt  }
tec
execute0_lowered:
.L_overlay_start_1:
0x0: {  	(tag) =	ssettag $0x1  }
0x1: {  	s3 =	rddreg [dreg:$0x0]  }
0x2: {  	s5 =	rddreg [dreg:$0x1];
	s2 =	simm.s32 $0x0  }
0x3: {  	[smem:$0x7FF] =	sst s2  }
0x4: {  	s0 =	rddreg [dreg:$0x2];
	v0 =	vimm.f32 $2.000000000e+00;
	_ =	strace $0x80000047  }
0x5: {  	(erf) = vrcp.f32 v0  }
0x6: {  	s4 =	srdreg.scid;
	s1 =	stileid.u32;
	s10 =	simm.s32 $0x2C80  }
0x7: {  	s11 =	simm.s32 $0x3D80;
	s12 =	simm.s32 $0x2B80;
	s13 =	simm.s32 $0x4600  }
0x8: {  	s14 =	simm.s32 $0x2;
	s4 =	sand.u32 $0x1, s4;
	s6 =	sshll.u32 s1, $0x1  }
0x9: {  	s15 =	simm.s32 $0x0;
	s6 =	sor.u32 s4, s6;
	s4 =	ssub.s32 $0x2, s4  }
.Ltmp0:
0xa: {  	s7 =	sshll.u32 s6, $0x6;
	s31 =	sshrl.u32 s4, $0x1;
	(pc) =	sbr.rel .LBB2_1-.Ltmp0, $4  }
0xb: {  	s6 =	sshll.u32 s6, $0x9;
	s8 =	sand.u32 $0x400, s7;
	s7 =	sadd.s32 s7, s3  }
0xc: {  	v0 =	vlaneseq.u32;
	s9 =	ssub.s32 s4, s31;
	s5 =	sadd.s32 s5, s6;
	s8 =	sadd.s32 s8, s3  }
0xd: {  	v1 =	vmul.u32 $0x4, v0;
	s3 =	sadd.s32 $0x1000, s7;
	s6 =	smax.u32 s9, $0x1;
	s7 =	simm.s32 $0x200  }
0xe: {  	v3 =	vimm.s32 $0x0;
	v4 =	vimm.s32 $0xFFFFFFFF;
	v5 =	vmul.u32 $0x20, v0;
	s9 =	simm.s32 $0x2A80;
	s4 =	sadd.s32 $0x800, s8;
	s8 =	simm.s32 $0x1;
	v2 =	vpop (erf)  }
.LBB2_15:
0xf: {  	s15 =	sadd.s32 $0x1, s15  }
0x10: {  	p0 =	sne.s32 s15, s6  }
.Ltmp1:
0x11: {  	_ = 	snop;
	(pc) =	sbr.rel @!p0 .LBB2_16-.Ltmp1, $4  }
0x12: {  	[hbm4b:s5+s2] =	stream.linear.scatter [tilespmem:s13], [sflag:$0x2], $0x1000, $0x38;
	[tilespmem:$0x5600] =	vst v63  }
0x13: {  	_ =	swait.ge [sflag:s14], $0x1000  }
0x14: {  	[sflag:s14] =	ssyncset.done $0x0  }
0x15: {  	[sflag:s14] =	ssyncadd.s32 $0xFFFFF000  }
.LBB2_1:
0x16: {  	[tilespmem:s2], [sflag:$0x1] =	stream.linear.gather [hbm4b:s3+s2], $0x200, $0x38;
	[tilespmem:$0x5600] =	vst v63  }
0x17: {  	_ = 	snop  }
0x18: {  	[tilespmem:s7], [sflag:$0x1] =	stream.linear.gather [hbm4b:s4+s2], $0x2000, $0x38;
	[tilespmem:$0x5600] =	vst v63  }
0x19: {  	_ =	swait.ge [sflag:s8], $0x200  }
0x1a: {  	v7 =	vor.u32 s2, v1;
	[sflag:s8] =	ssyncset.done $0x0  }
0x1b: {  	s16 =	simm.s32 $0x1;
	[sflag:s8] =	ssyncadd.s32 $0xFFFFFE00  }
0x1c: {  	v6 =	vor.u32 s16, v1;
	_ =	swait.ge [sflag:s8], $0x2000  }
0x1d: {  	[sflag:s8] =	ssyncset.done $0x0  }
0x1e: {  	s17 =	simm.s32 $0x2;
	[sflag:s8] =	ssyncadd.s32 $0xFFFFE000  }
0x1f: {  	s18 =	simm.s32 $0x3;
	v8 =	vor.u32 s17, v1;
	s17 =	simm.s32 $0x40;
	s16 =	simm.s32 $0x0;
	v7 =	vld.idx.msk [tilespmem:v7+s2+$0x0], $0xffff  }
.LBB2_2:
0x20: {  	p0 =	sne.s32 s17, $0x21C0;
	v9 =	vor.u32 s18, v1  }
0x21: {  	v6 =	vld.idx.msk [tilespmem:v6+s2+$0x0], $0xffff;
	_ =	sdelay $0x2  }
0x22: {  	v8 =	vld.idx.msk [tilespmem:v8+s2+$0x0], $0xffff  }
0x23: {  	v7 =	vmul.f32 v7, v2;
	v9 =	vld.idx.msk [tilespmem:v9+s2+$0x0], $0xffff;
	_ =	sdelay $0x1  }
0x24: {  	v10 =	vtrunc.f32 v7;
	v6 =	vmul.f32 v6, v2  }
0x25: {  	v11 =	vor.u32 s17, v1;
	vm0 =	vlt.f32 v7, v10;
	vm1 =	vgt.f32 v7, v10  }
0x26: {  	vm2 =	vlt.f32 v7, $0.0e+00;
	vm0 =	vmor vm1, vm0;
	v7 =	vtrunc.f32 v6  }
0x27: {  	v10 =	vcvt.f32.s32 v10;
	vm0 =	vmand vm2, vm0;
	vm1 =	vlt.f32 v6, v7  }
0x28: {  	vm2 =	vgt.f32 v6, v7;
	v8 =	vmul.f32 v8, v2;
	v9 =	vmul.f32 v9, v2  }
0x29: {  	vm3 =	vlt.f32 v6, $0.0e+00;
	v7 =	vcvt.f32.s32 v7;
	vm1 =	vmor vm2, vm1  }
0x2a: {  	v6 =	vtrunc.f32 v8;
	vm2 =	vlt.f32 v8, $0.0e+00;
	v12 =	vtrunc.f32 v9  }
0x2b: {  	vm4 =	vlt.f32 v8, v6;
	vm5 =	vlt.f32 v9, v12;
	vm6 =	vgt.f32 v9, v12  }
0x2c: {  	vm7 =	vgt.f32 v8, v6;
	vm8 =	vlt.f32 v9, $0.0e+00;
	vm5 =	vmor vm6, vm5  }
0x2d: {  	vm4 =	vmor vm7, vm4;
	v8 =	vcvt.f32.s32 v12;
	vm5 =	vmand vm8, vm5  }
0x2e: {  	v6 =	vcvt.f32.s32 v6;
	vm2 =	vmand vm2, vm4;
	v9 =	vsel vm5, $0xFFFFFFFF, v3  }
0x2f: {  	vm1 =	vmand vm3, vm1;
	v12 =	vsel vm2, $0xFFFFFFFF, v3;
	v8 =	vadd.s32 v8, v9  }
0x30: {  	v6 =	vadd.s32 v6, v12;
	v9 =	vsel vm1, $0xFFFFFFFF, v3;
	v8 =	vshll.u32 v8, $0x6  }
0x31: {  	v6 =	vand.u32 $0x3F, v6;
	v7 =	vadd.s32 v7, v9;
	v8 =	vand.u32 $0xFC0, v8  }
0x32: {  	v9 =	vsel vm0, $0xFFFFFFFF, v3;
	v7 =	vshll.u32 v7, $0x6;
	v6 =	vor.u32 v6, v8  }
.Ltmp2:
0x33: {  	s18 =	sadd.s32 $0x1, s17;
	v8 =	vadd.s32 v10, v9;
	v7 =	vand.u32 $0xFC0, v7;
	v9 =	vshll.u32 v6, $0xC;
	(pc) =	sbr.rel @p0 .LBB2_2-.Ltmp2, $4  }
0x34: {  	v6 =	vor.u32 s18, v1;
	v8 =	vand.u32 $0x3F, v8;
	v7 =	vor.u32 v7, v9  }
0x35: {  	s18 =	sshra.s32 s16, $0x2;
	s16 =	smov.u32 s17;
	v7 =	vor.u32 v8, v7  }
0x36: {  	s19 =	sadd.s32 $0x2, s17;
	[tilespmem:s18+$0x2200] =	vst v7  }
0x37: {  	s17 =	sadd.s32 $0x40, s17;
	v8 =	vor.u32 s19, v1;
	s18 =	sadd.s32 $0x3, s16;
	v7 =	vld.idx.msk [tilespmem:v11+s2+$0x0], $0xffff  }
0x38: {  	_ =	sdelay $0x2  }
0x39: {  	v9 =	vor.u32 s18, v1  }
0x3a: {  	v6 =	vld.idx.msk [tilespmem:v6+s2+$0x0], $0xffff  }
0x3b: {  	v8 =	vld.idx.msk [tilespmem:v8+s2+$0x0], $0xffff;
	_ =	sdelay $0x2  }
0x3c: {  	v7 =	vmul.f32 v7, v2;
	v9 =	vld.idx.msk [tilespmem:v9+s2+$0x0], $0xffff  }
0x3d: {  	v6 =	vmul.f32 v6, v2  }
0x3e: {  	v8 =	vmul.f32 v8, v2;
	v10 =	vtrunc.f32 v7;
	vm2 =	vlt.f32 v7, $0.0e+00  }
0x3f: {  	vm0 =	vlt.f32 v7, v10;
	vm1 =	vgt.f32 v7, v10;
	v7 =	vtrunc.f32 v6  }
0x40: {  	v10 =	vcvt.f32.s32 v10;
	vm3 =	vlt.f32 v6, $0.0e+00;
	vm15 =	vlt.f32 v8, $0.0e+00  }
0x41: {  	vm0 =	vmor vm1, vm0;
	vm13 =	vlt.f32 v6, v7;
	v9 =	vmul.f32 v9, v2  }
0x42: {  	vm14 =	vgt.f32 v6, v7;
	v7 =	vcvt.f32.s32 v7;
	v6 =	vtrunc.f32 v8  }
0x43: {  	vm0 =	vmand vm2, vm0;
	vm1 =	vmor vm14, vm13;
	v11 =	vtrunc.f32 v9  }
0x44: {  	vm4 =	vlt.f32 v8, v6;
	vm5 =	vlt.f32 v9, v11;
	vm6 =	vgt.f32 v9, v11  }
0x45: {  	vm7 =	vgt.f32 v8, v6;
	vm8 =	vlt.f32 v9, $0.0e+00;
	vm5 =	vmor vm6, vm5  }
0x46: {  	vm4 =	vmor vm7, vm4;
	v58 =	vcvt.f32.s32 v11;
	vm5 =	vmand vm8, vm5  }
0x47: {  	v6 =	vcvt.f32.s32 v6;
	vm2 =	vmand vm15, vm4;
	v59 =	vsel vm5, $0xFFFFFFFF, v3  }
0x48: {  	vm1 =	vmand vm3, vm1;
	v60 =	vsel vm2, $0xFFFFFFFF, v3;
	v8 =	vadd.s32 v58, v59  }
0x49: {  	v61 =	vsel vm1, $0xFFFFFFFF, v3;
	v6 =	vadd.s32 v6, v60;
	v8 =	vshll.u32 v8, $0x6  }
0x4a: {  	v7 =	vadd.s32 v7, v61;
	v6 =	vand.u32 $0x3F, v6;
	v8 =	vand.u32 $0xFC0, v8  }
0x4b: {  	v62 =	vsel vm0, $0xFFFFFFFF, v3;
	v7 =	vshll.u32 v7, $0x6;
	v6 =	vor.u32 v6, v8  }
0x4c: {  	v63 =	vadd.s32 v10, v62;
	v7 =	vand.u32 $0xFC0, v7;
	v6 =	vshll.u32 v6, $0xC  }
0x4d: {  	v8 =	vand.u32 $0x3F, v63;
	v6 =	vor.u32 v7, v6  }
0x4e: {  	s16 =	sshra.s32 s16, $0x2;
	v6 =	vor.u32 v8, v6  }
0x4f: {  	[tilespmem:s16+$0x2200] =	vst v6  }
0x50: {  	[tilespmem:$0x2A80] =	vst v3  }
0x51: {  	[tilespmem:$0x2A90] =	vst v3  }
0x52: {  	[tilespmem:$0x2AA0] =	vst v3  }
0x53: {  	[tilespmem:$0x2AB0] =	vst v3  }
0x54: {  	[tilespmem:$0x2AC0] =	vst v3  }
0x55: {  	[tilespmem:$0x2AD0] =	vst v3  }
0x56: {  	[tilespmem:$0x2AE0] =	vst v3  }
0x57: {  	[tilespmem:$0x2AF0] =	vst v3  }
0x58: {  	[tilespmem:$0x2B00] =	vst v3  }
0x59: {  	[tilespmem:$0x2B10] =	vst v3  }
0x5a: {  	[tilespmem:$0x2B20] =	vst v3  }
0x5b: {  	[tilespmem:$0x2B30] =	vst v3  }
0x5c: {  	[tilespmem:$0x2B40] =	vst v3  }
0x5d: {  	[tilespmem:$0x2B50] =	vst v3  }
0x5e: {  	s20 =	simm.s32 $0x0;
	s17 =	simm.s32 $0x3590;
	[tilespmem:$0x2B60] =	vst v3  }
0x5f: {  	s18 =	simm.s32 $0x2D90;
	s19 =	simm.s32 $0x0;
	s16 =	simm.s32 $0x2290;
	[tilespmem:$0x2B70] =	vst v3  }
.LBB2_4:
0x60: {  	s21 =	sand.u32 $0x7E0, s19  }
0x61: {  	v6 =	vld [tilespmem:s21+$0x2280];
	_ =	sdelay $0x4  }
0x62: {  	v7 =	vshrl.u32 v6, $0x8;
	v8 =	vshrl.u32 v6, $0x10  }
0x63: {  	v7 =	vxor.u32 v7, v8  }
0x64: {  	v6 =	vxor.u32 v6, v7  }
0x65: {  	v6 =	vand.u32 $0xFF, v6  }
0x66: {  	(xrf1) =	vunique.msk.u32 $0xffff, v6;
	_ =	sdelay $0xd  }
0x67: {  	_, v7, vm0 =	vpop (xrf1);
	_ =	sdelay $0x5  }
0x68: {  	[tilespmem:v6+s9+$0x0] =	vst.idx.add.s32.msk vm0, v7  }
0x69: {  	v6 =	vsel vm0, $0x1, v3;
	[tilespmem:s18+$0xFFFFFFF0] =	vst v7  }
0x6a: {  	[tilespmem:s17+$0xFFFFFFF0] =	vst v6  }
0x6b: {  	v6 =	vld [tilespmem:s16+$0x0];
	_ =	sdelay $0x4  }
0x6c: {  	v7 =	vshrl.u32 v6, $0x8;
	v63 =	vshrl.u32 v6, $0x10  }
0x6d: {  	v7 =	vxor.u32 v7, v63  }
0x6e: {  	v6 =	vxor.u32 v6, v7  }
0x6f: {  	v6 =	vand.u32 $0xFF, v6  }
0x70: {  	(xrf1) =	vunique.msk.u32 $0xffff, v6;
	_ =	sdelay $0xd  }
0x71: {  	_, v7, vm15 =	vpop (xrf1);
	_ =	sdelay $0x2  }
0x72: {  	p0 =	sne.s32 s19, $0x7E0  }
.Ltmp3:
0x73: {  	_ = 	snop;
	(pc) =	sbr.rel @p0 .LBB2_4-.Ltmp3, $4  }
0x74: {  	_ = 	snop  }
0x75: {  	[tilespmem:v6+s9+$0x0] =	vst.idx.add.s32.msk vm15, v7  }
0x76: {  	s19 =	sadd.s32 $0x20, s19;
	v6 =	vsel vm15, $0x1, v3;
	[tilespmem:s18+$0x0] =	vst v7  }
0x77: {  	s16 =	sadd.s32 $0x20, s16;
	s18 =	sadd.s32 $0x20, s18;
	[tilespmem:s17+$0x0] =	vst v6;
	s17 =	sadd.s32 $0x20, s17  }
0x78: {  	s23 =	simm.s32 $0x0  }
0x79: {  	v10 =	vld [tilespmem:s23+$0x2A80];
	_ =	sdelay $0x4  }
0x7a: {  	(xrf0) =	vadd.scan.msk.s32 $0xffff, v10  }
0x7b: {  	s21 =	simm.s32 $0x10  }
0x7c: {  	v11 =	vld [tilespmem:s21+$0x2A80];
	_ =	sdelay $0x3  }
0x7d: {  	v15, _, _ =	vpop (xrf0)  }
0x7e: {  	(xrf0) =	vadd.scan.msk.s32 $0xffff, v11;
	v6 =	vxor.u32 $0x80000000, v15  }
0x7f: {  	(xrf0) =	vmax.scan.msk.u32 $0xffff, v6  }
0x80: {  	s19 =	simm.s32 $0x20  }
0x81: {  	v8 =	vld [tilespmem:s19+$0x2A80];
	_ =	sdelay $0x2  }
0x82: {  	v12, _, _ =	vpop (xrf0)  }
0x83: {  	v6, _, _ =	vpop (xrf0)  }
0x84: {  	(xrf0) =	vadd.scan.msk.s32 $0xffff, v8;
	(v2sf) =	vpush v6, $0xF  }
0x85: {  	s18 =	simm.s32 $0x30  }
0x86: {  	v9 =	vld [tilespmem:s18+$0x2A80];
	_ =	sdelay $0x2  }
0x87: {  	v7 =	vxor.u32 $0x80000000, v12  }
0x88: {  	(xrf0) =	vmax.scan.msk.u32 $0xffff, v7;
	v13, _, _ =	vpop (xrf0)  }
0x89: {  	(xrf0) =	vadd.scan.msk.s32 $0xffff, v9;
	v7 =	vxor.u32 $0x80000000, v13  }
0x8a: {  	(xrf0) =	vmax.scan.msk.u32 $0xffff, v7;
	_ =	sdelay $0x1  }
0x8b: {  	s16 =	simm.s32 $0x40  }
0x8c: {  	v6 =	vld [tilespmem:s16+$0x2A80]  }
0x8d: {  	v16, _, _ =	vpop (xrf0)  }
0x8e: {  	v14, _, _ =	vpop (xrf0)  }
0x8f: {  	(v2sf) =	vpush v16, $0xF;
	v18, _, _ =	vpop (xrf0)  }
0x90: {  	s24 =	spop (v2sf);
	(v2sf) =	vpush v18, $0xF  }
0x91: {  	(xrf0) =	vadd.scan.msk.s32 $0xffff, v6  }
0x92: {  	s17 =	simm.s32 $0x50;
	v17 =	vsub.s32 s20, v10  }
0x93: {  	v15 =	vadd.s32 v15, v17;
	v7 =	vld [tilespmem:s17+$0x2A80];
	v17 =	vxor.u32 $0x80000000, v14  }
0x94: {  	(xrf0) =	vmax.scan.msk.u32 $0xffff, v17;
	_ =	sdelay $0x1  }
0x95: {  	v19 =	vshll.u32 v15, $0xC  }
0x96: {  	s20 =	simm.s32 $0x60;
	[tilespmem:s23+$0x2C80] =	vst v15;
	v17 =	vor.u32 v10, v19;
	v15, _, _ =	vpop (xrf0)  }
0x97: {  	s22 =	simm.s32 $0x1C0;
	v10 =	vld [tilespmem:s20+$0x2A80];
	(xrf0) =	vadd.scan.msk.s32 $0xffff, v7;
	[tilespmem:s23+$0x2B80] =	vst v17;
	v16 =	vxor.u32 $0x80000000, v15;
	s23 =	sadd.s32 $0x0, s24  }
.LBB2_6:
0x98: {  	p0 =	sne.s32 s22, $0x3C0;
	s23 =	sadd.s32 $0x80000000, s23;
	s24 =	smov.u32 s22  }
0x99: {  	(xrf0) =	vmax.scan.msk.u32 $0xffff, v16;
	v16, _, _ =	vpop (xrf0);
	s22 =	sadd.s32 $0x40, s22;
	s25 =	smov.u32 s18;
	s18 =	smov.u32 s16  }
.Ltmp4:
0x9a: {  	s16 =	smov.u32 s17;
	s17 =	smov.u32 s20;
	(v2sf) =	vpush v16, $0xF;
	v16 =	vsub.s32 s23, v11;
	(pc) =	sbr.rel @p0 .LBB2_6-.Ltmp4, $4  }
0x9b: {  	v16 =	vadd.s32 v12, v16;
	v12 =	vmovc v13;
	v13 =	vmov v14;
	v14 =	vmov v15  }
0x9c: {  	v17 =	vshll.u32 v16, $0xC;
	[tilespmem:s21+$0x2C80] =	vst v16  }
0x9d: {  	s20 =	sshra.s32 s24, $0x2;
	(xrf0) =	vadd.scan.msk.s32 $0xffff, v10;
	v15, _, _ =	vpop (xrf0);
	v17 =	vor.u32 v11, v17;
	s24 =	spop (v2sf);
	v11 =	vmov v8;
	v8 =	vmov v9  }
0x9e: {  	v9 =	vmovc v6;
	v6 =	vmov v7;
	v7 =	vmov v10;
	v16 =	vxor.u32 $0x80000000, v15;
	[tilespmem:s21+$0x2B80] =	vst v17;
	s23 =	sadd.s32 s24, s23;
	v10 =	vld [tilespmem:s20+$0x2A80];
	s21 =	smov.u32 s19;
	s19 =	smov.u32 s25  }
0x9f: {  	_ =	sdelay $0x2  }
0xa0: {  	v44, _, _ =	vpop (xrf0)  }
0xa1: {  	(xrf0) =	vmax.scan.msk.u32 $0xffff, v16;
	v17, _, _ =	vpop (xrf0)  }
0xa2: {  	(xrf0) =	vadd.scan.msk.s32 $0xffff, v10;
	v18 =	vxor.u32 $0x80000000, v17  }
0xa3: {  	(xrf0) =	vmax.scan.msk.u32 $0xffff, v18;
	_ =	sdelay $0x2  }
0xa4: {  	(v2sf) =	vpush v44, $0xF  }
0xa5: {  	v45, _, _ =	vpop (xrf0)  }
0xa6: {  	(v2sf) =	vpush v45, $0xF;
	v46, _, _ =	vpop (xrf0)  }
0xa7: {  	v47 =	vxor.u32 $0x80000000, v46;
	v48, _, _ =	vpop (xrf0)  }
0xa8: {  	(xrf0) =	vmax.scan.msk.u32 $0xffff, v47;
	(v2sf) =	vpush v48, $0xF;
	_ =	sdelay $0x5  }
0xa9: {  	v49, _, _ =	vpop (xrf0)  }
0xaa: {  	s22 =	spop (v2sf);
	s23 =	sadd.s32 $0x80000000, s23;
	(v2sf) =	vpush v49, $0xF  }
0xab: {  	v50 =	vsub.s32 s23, v11;
	s22 =	sadd.s32 s22, s23  }
0xac: {  	v12 =	vadd.s32 v12, v50;
	s22 =	sadd.s32 $0x80000000, s22;
	s31 =	spop (v2sf)  }
0xad: {  	v16 =	vshll.u32 v12, $0xC;
	v19 =	vsub.s32 s22, v8;
	s22 =	sadd.s32 s31, s22  }
0xae: {  	[tilespmem:s21+$0x2C80] =	vst v12;
	v51 =	vor.u32 v11, v16;
	v52 =	vadd.s32 v13, v19;
	s22 =	sadd.s32 $0x80000000, s22;
	s24 =	spop (v2sf)  }
0xaf: {  	[tilespmem:s21+$0x2B80] =	vst v51;
	v53 =	vshll.u32 v52, $0xC;
	v54 =	vsub.s32 s22, v9;
	s25 =	sadd.s32 s24, s22  }
0xb0: {  	[tilespmem:s19+$0x2C80] =	vst v52;
	v55 =	vor.u32 v8, v53;
	v56 =	vadd.s32 v14, v54;
	s21 =	sadd.s32 $0x80000000, s25;
	s26 =	spop (v2sf)  }
0xb1: {  	[tilespmem:s19+$0x2B80] =	vst v55;
	v57 =	vshll.u32 v56, $0xC;
	v58 =	vsub.s32 s21, v6;
	s28 =	sadd.s32 s26, s21  }
0xb2: {  	[tilespmem:s18+$0x2C80] =	vst v56;
	v8 =	vor.u32 v9, v57;
	v59 =	vadd.s32 v15, v58;
	s19 =	sadd.s32 $0x80000000, s28;
	s29 =	spop (v2sf)  }
0xb3: {  	[tilespmem:s18+$0x2B80] =	vst v8;
	v60 =	vshll.u32 v59, $0xC;
	v61 =	vsub.s32 s19, v7;
	s30 =	sadd.s32 s29, s19  }
0xb4: {  	[tilespmem:s16+$0x2C80] =	vst v59;
	v6 =	vor.u32 v6, v60;
	v62 =	vadd.s32 v17, v61;
	s18 =	sadd.s32 $0x80000000, s30  }
0xb5: {  	[tilespmem:s16+$0x2B80] =	vst v6;
	v6 =	vshll.u32 v62, $0xC;
	v63 =	vsub.s32 s18, v10  }
0xb6: {  	[tilespmem:s17+$0x2C80] =	vst v62;
	v6 =	vor.u32 v7, v6;
	v7 =	vadd.s32 v46, v63  }
0xb7: {  	[tilespmem:s17+$0x2B80] =	vst v6;
	v6 =	vshll.u32 v7, $0xC  }
0xb8: {  	s16 =	simm.s32 $0x0;
	s17 =	simm.s32 $0x2D80;
	[tilespmem:s20+$0x2C80] =	vst v7;
	v6 =	vor.u32 v10, v6  }
0xb9: {  	s19 =	simm.s32 $0x0;
	s18 =	simm.s32 $0x3580;
	s31 =	spop (v2sf);
	[tilespmem:s20+$0x2B80] =	vst v6  }
.LBB2_8:
0xba: {  	s20 =	sand.u32 $0x7F0, s19  }
0xbb: {  	v6 =	vld [tilespmem:s20+$0x2280];
	_ =	sdelay $0x4  }
0xbc: {  	v7 =	vshrl.u32 v6, $0x10  }
0xbd: {  	v8 =	vshra.s32 v6, $0x8;
	v6 =	vxor.u32 v6, v7  }
0xbe: {  	v6 =	vxor.u32 v8, v6  }
0xbf: {  	v6 =	vand.u32 $0xFF, v6;
	_ =	sdelay $0x3  }
0xc0: {  	v7 =	vld [tilespmem:s17+$0x0]  }
0xc1: {  	v9 =	vld.idx.msk [tilespmem:v6+s10+$0x0], $0xffff  }
0xc2: {  	v10 =	vld [tilespmem:s18+$0x0];
	_ =	sdelay $0x3  }
0xc3: {  	v9 =	vadd.s32 v9, v7  }
0xc4: {  	vm0 =	veq.s32 v10, $0x1;
	v9 =	vadd.s32 $0xFFFFFFFF, v9  }
0xc5: {  	p0 =	sne.s32 s19, $0x7F0  }
.Ltmp5:
0xc6: {  	v8 =	vshll.u32 v8, $0xB;
	(pc) =	sbr.rel @p0 .LBB2_8-.Ltmp5, $4  }
0xc7: {  	v8 =	vadd.s32 s19, v8  }
0xc8: {  	v8 =	vadd.s32 v0, v8  }
0xc9: {  	[tilespmem:v9+s11+$0x0] =	vst.idx.msk $0xffff, v8  }
0xca: {  	s18 =	sadd.s32 $0x10, s18;
	s17 =	sadd.s32 $0x10, s17;
	s19 =	sadd.s32 $0x10, s19;
	[tilespmem:v6+s10+$0x0] =	vst.idx.add.s32.msk vm0, v7  }
.LBB2_9:
0xcb: {  	p0 =	sne.s32 s16, $0x3FC0  }
.Ltmp6:
0xcc: {  	_ = 	snop;
	(pc) =	sbr.rel @p0 .LBB2_9-.Ltmp6, $3  }
0xcd: {  	_ =	sdelay $0x1  }
0xce: {  	s17 =	sshra.s32 s16, $0x2  }
0xcf: {  	s16 =	sadd.s32 $0x40, s16;
	[tilespmem:s17+$0x4600] =	vst v4  }
.Ltmp7:
0xd0: {  	(pc) =	sbr.rel .LBB2_11-.Ltmp7, $2  }
0xd1: {  	_ =	sdelay $0x2  }
0xd2: {  	s16 =	simm.s32 $0x0  }
.LBB2_14:
0xd3: {  	s16 =	sadd.s32 $0x1, s16  }
0xd4: {  	p0 =	sne.s32 s16, $0x8  }
.Ltmp8:
0xd5: {  	_ = 	snop;
	(pc) =	sbr.rel @!p0 .LBB2_15-.Ltmp8, $1  }
0xd6: {  	_ =	sdelay $0x3  }
.LBB2_11:
0xd7: {  	s18 =	sshll.u32 s16, $0x4  }
0xd8: {  	v7 =	vld [tilespmem:s18+$0x2200];
	_ =	sdelay $0x4  }
0xd9: {  	v8 =	vshrl.u32 v7, $0x10  }
0xda: {  	v6 =	vshra.s32 v7, $0x8;
	v7 =	vxor.u32 v7, v8  }
0xdb: {  	v7 =	vxor.u32 v6, v7  }
0xdc: {  	v7 =	vand.u32 $0xFF, v7;
	_ =	sdelay $0x4  }
0xdd: {  	v8 =	vld.idx.msk [tilespmem:v7+s12+$0x0], $0xffff;
	_ =	sdelay $0x4  }
0xde: {  	v7 =	vand.u32 $0xFFF, v8  }
0xdf: {  	v9 =	vor.u32 $0x80000000, v7  }
0xe0: {  	(xrf0) =	vmax.scan.msk.u32 $0xffff, v9;
	_ =	sdelay $0x5  }
0xe1: {  	v9, _, _ =	vpop (xrf0)  }
0xe2: {  	(v2sf) =	vpush v9, $0xF;
	_ =	sdelay $0xe  }
0xe3: {  	s17 =	spop (v2sf)  }
0xe4: {  	s17 =	sadd.s32 $0x80000007, s17  }
0xe5: {  	s19 =	sand.u32 $0x7, s17  }
0xe6: {  	s31 =	sshra.s32 s17, $0x1F;
	p1 =	slt.s32 s17, $0x1;
	p0 =	sne.s32 s19, $0x0  }
0xe7: {  	s19 =	sshrl.u32 s31, $0x1D;
	p0 =	por !p1, !p0  }
0xe8: {  	s17 =	sadd.s32 s19, s17;
	s19 =	simm.s32 $0x1;
	p0 =	por !p0, !p0  }
0xe9: {  	s17 =	sshra.s32 s17, $0x3;
	s19 =	simm.s32 @!p0 $0x0  }
0xea: {  	s17 =	ssub.s32 s17, s19  }
0xeb: {  	p0 =	slt.s32 s17, $0x1  }
.Ltmp9:
0xec: {  	_ = 	snop;
	(pc) =	sbr.rel @p0 .LBB2_14-.Ltmp9, $4  }
0xed: {  	_ = 	snop  }
0xee: {  	v10 =	vshra.s32 v8, $0xC  }
0xef: {  	[tilespmem:$0x4580] =	vst v10;
	v9 =	vimm.s32 $0x0  }
0xf0: {  	[tilespmem:$0x4590] =	vst v9  }
0xf1: {  	v8 =	vmov s18  }
0xf2: {  	v8 =	vshll.u32 v8, $0x5  }
0xf3: {  	v6 =	vshll.u32 v6, $0xB;
	v7 =	vadd.s32 v7, v10;
	v8 =	vor.u32 v5, v8  }
.LBB2_13:
0xf4: {  	vm0 =	vlt.s32 v10, v7  }
0xf5: {  	v11 =	vnsel vm0, $0x0, v10;
	_ =	sdelay $0x4  }
0xf6: {  	v11 =	vld.idx.msk [tilespmem:v11+s11+$0x0], $0xffff;
	_ =	sdelay $0x4  }
0xf7: {  	vm1 =	vlt.s32 v9, $0x20;
	v12 =	vand.u32 $0xFFFFF800, v11  }
0xf8: {  	vm1 =	vmand vm1, vm0;
	v28 =	vsel vm0, $0x1, v3;
	vm2 =	veq.s32 v12, v6  }
0xf9: {  	v10 =	vadd.s32 v28, v10;
	vm6 =	vmand vm1, vm2  }
0xfa: {  	v29 =	vadd.s32 v8, v9;
	vm7 =	vlt.s32 v10, v7  }
0xfb: {  	v13 =	vnsel vm7, $0x0, v10;
	_ =	sdelay $0x2  }
0xfc: {  	v11 =	vand.u32 $0x7FF, v11  }
0xfd: {  	[tilespmem:v29+s13+$0x0] =	vst.idx.msk vm6, v11  }
0xfe: {  	v11 =	vld.idx.msk [tilespmem:v13+s11+$0x0], $0xffff;
	_ =	sdelay $0x2  }
0xff: {  	v30 =	vsel vm6, $0x1, v3  }
0x100: {  	v9 =	vadd.s32 v30, v9  }
0x101: {  	vm8 =	vlt.s32 v9, $0x20;
	v31 =	vand.u32 $0xFFFFF800, v11  }
0x102: {  	v32 =	vsel vm7, $0x1, v3;
	vm0 =	vmand vm8, vm7;
	vm9 =	veq.s32 v31, v6  }
0x103: {  	v10 =	vadd.s32 v32, v10;
	vm0 =	vmand vm0, vm9  }
0x104: {  	vm10 =	vlt.s32 v10, v7;
	v33 =	vadd.s32 v8, v9  }
0x105: {  	v34 =	vnsel vm10, $0x0, v10;
	_ =	sdelay $0x2  }
0x106: {  	v11 =	vand.u32 $0x7FF, v11  }
0x107: {  	[tilespmem:v33+s13+$0x0] =	vst.idx.msk vm0, v11  }
0x108: {  	v11 =	vld.idx.msk [tilespmem:v34+s11+$0x0], $0xffff;
	_ =	sdelay $0x2  }
0x109: {  	v35 =	vsel vm0, $0x1, v3  }
0x10a: {  	v9 =	vadd.s32 v35, v9  }
0x10b: {  	vm11 =	vlt.s32 v9, $0x20;
	v36 =	vand.u32 $0xFFFFF800, v11  }
0x10c: {  	v37 =	vsel vm10, $0x1, v3;
	vm0 =	vmand vm11, vm10;
	vm12 =	veq.s32 v36, v6  }
0x10d: {  	v10 =	vadd.s32 v37, v10;
	vm0 =	vmand vm0, vm12  }
0x10e: {  	vm13 =	vlt.s32 v10, v7;
	v38 =	vadd.s32 v8, v9  }
0x10f: {  	v39 =	vnsel vm13, $0x0, v10;
	_ =	sdelay $0x2  }
0x110: {  	v11 =	vand.u32 $0x7FF, v11  }
0x111: {  	[tilespmem:v38+s13+$0x0] =	vst.idx.msk vm0, v11  }
0x112: {  	v11 =	vld.idx.msk [tilespmem:v39+s11+$0x0], $0xffff;
	_ =	sdelay $0x2  }
0x113: {  	v40 =	vsel vm0, $0x1, v3  }
0x114: {  	v9 =	vadd.s32 v40, v9  }
0x115: {  	vm14 =	vlt.s32 v9, $0x20;
	v41 =	vand.u32 $0xFFFFF800, v11  }
0x116: {  	v42 =	vsel vm13, $0x1, v3;
	vm0 =	vmand vm14, vm13;
	vm15 =	veq.s32 v41, v6  }
0x117: {  	v10 =	vadd.s32 v42, v10;
	vm0 =	vmand vm0, vm15  }
0x118: {  	vm4 =	vlt.s32 v10, v7;
	v43 =	vadd.s32 v8, v9  }
0x119: {  	v44 =	vnsel vm4, $0x0, v10;
	_ =	sdelay $0x2  }
0x11a: {  	v11 =	vand.u32 $0x7FF, v11  }
0x11b: {  	[tilespmem:v43+s13+$0x0] =	vst.idx.msk vm0, v11  }
0x11c: {  	v11 =	vld.idx.msk [tilespmem:v44+s11+$0x0], $0xffff;
	_ =	sdelay $0x2  }
0x11d: {  	v45 =	vsel vm0, $0x1, v3  }
0x11e: {  	v9 =	vadd.s32 v45, v9  }
0x11f: {  	vm5 =	vlt.s32 v9, $0x20;
	v46 =	vand.u32 $0xFFFFF800, v11  }
0x120: {  	v47 =	vsel vm4, $0x1, v3;
	vm0 =	vmand vm5, vm4;
	vm6 =	veq.s32 v46, v6  }
0x121: {  	v10 =	vadd.s32 v47, v10;
	vm0 =	vmand vm0, vm6  }
0x122: {  	vm7 =	vlt.s32 v10, v7;
	v48 =	vadd.s32 v8, v9  }
0x123: {  	v49 =	vnsel vm7, $0x0, v10;
	_ =	sdelay $0x2  }
0x124: {  	v11 =	vand.u32 $0x7FF, v11  }
0x125: {  	[tilespmem:v48+s13+$0x0] =	vst.idx.msk vm0, v11  }
0x126: {  	v11 =	vld.idx.msk [tilespmem:v49+s11+$0x0], $0xffff;
	_ =	sdelay $0x2  }
0x127: {  	v50 =	vsel vm0, $0x1, v3  }
0x128: {  	v9 =	vadd.s32 v50, v9  }
0x129: {  	vm8 =	vlt.s32 v9, $0x20;
	v51 =	vand.u32 $0xFFFFF800, v11  }
0x12a: {  	v52 =	vsel vm7, $0x1, v3;
	vm0 =	vmand vm8, vm7;
	vm9 =	veq.s32 v51, v6  }
0x12b: {  	v10 =	vadd.s32 v52, v10;
	vm0 =	vmand vm0, vm9  }
0x12c: {  	vm10 =	vlt.s32 v10, v7;
	v53 =	vadd.s32 v8, v9  }
0x12d: {  	v54 =	vnsel vm10, $0x0, v10;
	_ =	sdelay $0x2  }
0x12e: {  	v11 =	vand.u32 $0x7FF, v11  }
0x12f: {  	[tilespmem:v53+s13+$0x0] =	vst.idx.msk vm0, v11  }
0x130: {  	v11 =	vld.idx.msk [tilespmem:v54+s11+$0x0], $0xffff;
	_ =	sdelay $0x2  }
0x131: {  	v55 =	vsel vm0, $0x1, v3  }
0x132: {  	v9 =	vadd.s32 v55, v9  }
0x133: {  	vm11 =	vlt.s32 v9, $0x20;
	v56 =	vand.u32 $0xFFFFF800, v11  }
0x134: {  	v57 =	vsel vm10, $0x1, v3;
	vm0 =	vmand vm11, vm10;
	vm12 =	veq.s32 v56, v6  }
0x135: {  	v10 =	vadd.s32 v57, v10;
	vm0 =	vmand vm0, vm12  }
0x136: {  	vm13 =	vlt.s32 v10, v7;
	v58 =	vadd.s32 v8, v9  }
0x137: {  	v59 =	vnsel vm13, $0x0, v10;
	_ =	sdelay $0x2  }
0x138: {  	v11 =	vand.u32 $0x7FF, v11  }
0x139: {  	[tilespmem:v58+s13+$0x0] =	vst.idx.msk vm0, v11  }
0x13a: {  	v11 =	vld.idx.msk [tilespmem:v59+s11+$0x0], $0xffff;
	_ =	sdelay $0x2  }
0x13b: {  	v60 =	vsel vm0, $0x1, v3  }
0x13c: {  	v9 =	vadd.s32 v60, v9  }
0x13d: {  	vm14 =	vlt.s32 v9, $0x20;
	v61 =	vand.u32 $0xFFFFF800, v11  }
0x13e: {  	vm0 =	vmand vm14, vm13;
	vm15 =	veq.s32 v61, v6  }
0x13f: {  	vm0 =	vmand vm0, vm15  }
0x140: {  	v62 =	vadd.s32 v8, v9;
	_ =	sdelay $0x1  }
0x141: {  	p0 =	sne.s32 s17, $0x1  }
.Ltmp10:
0x142: {  	_ = 	snop;
	(pc) =	sbr.rel @p0 .LBB2_13-.Ltmp10, $4  }
0x143: {  	v63 =	vsel vm13, $0x1, v3;
	v11 =	vand.u32 $0x7FF, v11  }
0x144: {  	v10 =	vadd.s32 v63, v10;
	[tilespmem:v62+s13+$0x0] =	vst.idx.msk vm0, v11;
	v11 =	vsel vm0, $0x1, v3  }
0x145: {  	v9 =	vadd.s32 v11, v9;
	[tilespmem:$0x4580] =	vst v10  }
0x146: {  	s17 =	sadd.s32 $0xFFFFFFFF, s17;
	[tilespmem:$0x4590] =	vst v9  }
.Ltmp11:
0x147: {  	_ = 	snop;
	(pc) =	sbr.rel .LBB2_14-.Ltmp11, $1  }
0x148: {  	_ =	sdelay $0x3  }
.LBB2_16:
0x149: {  	_ =	sfence.sel $0x180000  }
0x14a: {  	[bflag:$0x0] =	sbarrier.arrive $0xFFFF  }
0x14b: {  	p0 =	sne.s32 s1, $0x0;
	_ =	strace $0x90000047  }
0x14c: {  	s0 =	sadd.s32 @!p0 $0x100000, s0;
	[bflag:$0x2] =	sbarrier.arrive $0xFFFF  }
0x14d: {  	[sflag:s0] =	ssyncadd.tile.s32 @!p0 $0x1;
	_ =	shalt  }
.Lfunc_end2:
_tile_overlayer_lowered:
.L_overlay_start_2:
0x14e: {  	(tag) =	ssettag $0x2  }
0x14f: {  	s0 =	rddreg [dreg:$0x0];
	s2 =	stileid.u32  }
0x150: {  	s1 =	rddreg [dreg:$0x1];
	p0 =	sne.s32 s2, $0x0  }
0x151: {  	s3 =	rddreg [dreg:$0x2];
	[bflag:$0x3] =	sbarrier.arrive $0xFFFF;
	s2 =	simm.s32 @!p0 $0x1C02  }
0x152: {  	[timem:s3], [sflag:s2] =	dma.local @!p0 [hbm:s0], s1  }
0x153: {  	s0 =	simm.s32 @!p0 $0x2  }
0x154: {  	_ =	swait.ge @!p0 [sflag:s0], s1  }
0x155: {  	s1 =	ssub.s32 @!p0 $0x0, s1;
	[sflag:s0] =	ssyncset.done @!p0 $0x0  }
0x156: {  	[sflag:s0] =	ssyncadd.s32 @!p0 s1  }
0x157: {  	[bflag:$0x3] =	sbarrier.arrive $0xFFFF  }
0x158: {  	_ =	shalt  }

</sc_bundles>
